<compile_context>
chip_gen: v7x
topology: tpu7x:2x2x1
jax: 0.10.2.dev20260603
libtpu: 0.0.44.dev20260713+nightly
codegen_flags: <defaults>
</compile_context>

<pallas_src>
import functools

import jax
import jax.numpy as jnp
from jax import lax
from jax.experimental import pallas as pl
from jax.experimental.pallas import tpu as pltpu
from jax.experimental.pallas import tpu_sc as plsc

_VOCAB = 1_000_000
_D = 32
_B = 4096
_S = 200
_TOT = _B * _S

_NC = 2
_NS = 16
_NW = _NC * _NS
_PER_W = _TOT // _NW

_SUB = 128
_NSUB = 8
_CHUNK = _SUB * _NSUB
_NCHUNK = _PER_W // _CHUNK


@functools.partial(
    pl.kernel,
    out_type=jax.ShapeDtypeStruct((_TOT // _SUB, _SUB, _D), jnp.float32),
    mesh=plsc.VectorSubcoreMesh(core_axis_name="c", subcore_axis_name="s"),
    scratch_types=[
        pltpu.VMEM((2, _NSUB, _SUB), jnp.int32),
        pltpu.VMEM((2, _NSUB, _SUB, _D), jnp.float32),
        pltpu.SemaphoreType.DMA,
        pltpu.SemaphoreType.DMA,
    ],
    compiler_params=pltpu.CompilerParams(use_tc_tiling_on_sc=False),
)
def _sc_gather(idx_hbm, table_hbm, out_hbm, idx_v, rows_v, sem0, sem1):
    wid = lax.axis_index("s") * _NC + lax.axis_index("c")
    row_base = wid * (_PER_W // _SUB)
    sems = (sem0, sem1)

    def stage_fire(g, b):
        roff = row_base + g * _NSUB
        pltpu.sync_copy(idx_hbm.at[pl.ds(roff, _NSUB)], idx_v.at[b])
        for j in range(_NSUB):
            pltpu.async_copy(table_hbm.at[idx_v.at[b, j]], rows_v.at[b, j], sems[b])

    def drain_write(g, b):
        roff = row_base + g * _NSUB
        pltpu.make_async_copy(out_hbm.at[pl.ds(roff, _NSUB)], rows_v.at[b], sems[b]).wait()
        pltpu.sync_copy(rows_v.at[b], out_hbm.at[pl.ds(roff, _NSUB)])

    stage_fire(0, 0)

    def body(t, carry):
        g = t * 2
        stage_fire(g + 1, 1)
        drain_write(g, 0)
        stage_fire(g + 2, 0)
        drain_write(g + 1, 1)
        return carry

    lax.fori_loop(0, (_NCHUNK - 1) // 2, body, 0)
    drain_write(_NCHUNK - 1, 0)


def kernel(x, table):
    idx = x.reshape(_TOT // _SUB, _SUB)
    out = _sc_gather(idx, table)
    return out.reshape(_B, _S, _D)

# --- scband reference (transcript-rebuilt; emitter-appended) ---
"""Pipeline reference for scband-glove-embedding-29076928594046 (READ-ONLY COPY).

The authoritative reference and input builder live on the scoring server;
editing this copy changes nothing except your own understanding.
"""

import jax, jax.numpy as jnp
import numpy as np

VOCAB = 1000000
EMBED_DIM = 32
BATCH = 4096
SEQ_LEN = 200

def setup_inputs(seed: int = 0) -> dict:
    key = jax.random.key(seed)
    k_idx, k_tab = jax.random.split(key)
    x = jax.random.randint(k_idx, (BATCH, SEQ_LEN), 0, VOCAB, dtype=jnp.int64 if jax.config.jax_enable_x64 else jnp.int32)
    # pretrained embedding table; module re-inits with uniform(-0.05, 0.05)
    table = jax.random.uniform(k_tab, (VOCAB, EMBED_DIM), dtype=jnp.float32, minval=-0.05, maxval=0.05)
    return {"x": x, "table": table}

def reference(x, table):
    # GloveEmbedding.forward with elmo_mode=False:
    #   embedding = self._embedding(x)  -> gather rows from table
    #   embedding = self.dropout(embedding)  -> dropout p=0.0 (identity, eval-equivalent)
    embedding = jnp.take(table, x, axis=0)  # [B, S, D]
    return embedding

if __name__ == "__main__":
    import jax
    _d = setup_inputs()
    print(jax.jit(kernel)(*tuple(_d.values())))

</pallas_src>

<mosaic_0001>
#map = affine_map<(d0, d1) -> (0, 0)>
#map1 = affine_map<(d0, d1) -> (0, 0, 0)>
module attributes {stable_mosaic.version = 14 : i64} {
  func.func @_sc_gather(%arg0: i32, %arg1: i32, %arg2: memref<6400x128xi32, #tpu.memory_space<hbm>>, %arg3: memref<1000000x32xf32, #tpu.memory_space<hbm>>, %arg4: memref<6400x128x32xf32, #tpu.memory_space<hbm>>, %arg5: memref<2x8x128xi32, #tpu.memory_space<vmem>>, %arg6: memref<2x8x128x32xf32, #tpu.memory_space<vmem>>, %arg7: memref<!tpu.dma_semaphore, #tpu.memory_space<semaphore_mem>>, %arg8: memref<!tpu.dma_semaphore, #tpu.memory_space<semaphore_mem>>) attributes {dimension_semantics = [#tpu.dimension_semantics<core_parallel>, #tpu.dimension_semantics<subcore_parallel>], iteration_bounds = array<i64: 2, 16>, scalar_prefetch = 0 : i64, scratch_operands = 4 : i64, tpu.core_type = #tpu.core_type<sc_vector_subcore>, window_params = [{transform_indices = #map}, {transform_indices = #map}, {transform_indices = #map1}]} {
    %mul3A = arith.constant 2 : i32
    %mul3A_0 = arith.muli %arg1, %mul3A : i32
    %add3A = arith.addi %mul3A_0, %arg0 : i32
    %mul3A_1 = arith.constant 200 : i32
    %mul3A_2 = arith.muli %add3A, %mul3A_1 : i32
    %add3A_3 = arith.constant 0 : i32
    %add3A_4 = arith.addi %mul3A_2, %add3A_3 : i32
    %run_scoped3A = arith.constant 0 : i32
    "tpu.region"() ({
      %run_scoped3A_140 = tpu.sem_alloc : memref<!tpu.dma_semaphore, #tpu.memory_space<semaphore_mem>>
      %dma_start3A_141 = arith.constant 0 : i32
      %dma_start3A_142 = arith.constant 0 : i32
      %dma_start3A_143 = tpu.memref_slice %arg5[%run_scoped3A, %dma_start3A_141, %dma_start3A_142] : memref<2x8x128xi32, #tpu.memory_space<vmem>> -> memref<1x8x128xi32, #tpu.memory_space<vmem>>
      %dma_start3A_144 = tpu.memref_squeeze %dma_start3A_143 : memref<1x8x128xi32, #tpu.memory_space<vmem>> -> memref<8x128xi32, #tpu.memory_space<vmem>>
      %dma_start3A_145 = arith.constant 0 : i32
      %dma_start3A_146 = tpu.memref_slice %arg2[%add3A_4, %dma_start3A_145] : memref<6400x128xi32, #tpu.memory_space<hbm>> -> memref<8x128xi32, #tpu.memory_space<hbm>>
      %dma_start3A_147 = arith.constant 0 : i32
      %dma_start3A_148 = arith.constant 0 : i32
      %dma_start3A_149 = tpu.memref_slice %arg5[%run_scoped3A, %dma_start3A_147, %dma_start3A_148] : memref<2x8x128xi32, #tpu.memory_space<vmem>> -> memref<1x8x128xi32, #tpu.memory_space<vmem>>
      %dma_start3A_150 = tpu.memref_squeeze %dma_start3A_149 : memref<1x8x128xi32, #tpu.memory_space<vmem>> -> memref<8x128xi32, #tpu.memory_space<vmem>>
      %dma_start3A_151 = arith.constant 0 : i32
      %dma_start3A_152 = tpu.memref_slice %arg2[%add3A_4, %dma_start3A_151] : memref<6400x128xi32, #tpu.memory_space<hbm>> -> memref<8x128xi32, #tpu.memory_space<hbm>>
      tpu.enqueue_dma source(%dma_start3A_152 : memref<8x128xi32, #tpu.memory_space<hbm>>) target(%dma_start3A_150 : memref<8x128xi32, #tpu.memory_space<vmem>>) target_semaphore(%run_scoped3A_140 : memref<!tpu.dma_semaphore, #tpu.memory_space<semaphore_mem>>)
      %dma_wait3A_153 = arith.constant 0 : i32
      %dma_wait3A_154 = arith.constant 0 : i32
      %dma_wait3A_155 = tpu.memref_slice %arg5[%run_scoped3A, %dma_wait3A_153, %dma_wait3A_154] : memref<2x8x128xi32, #tpu.memory_space<vmem>> -> memref<1x8x128xi32, #tpu.memory_space<vmem>>
      %dma_wait3A_156 = tpu.memref_squeeze %dma_wait3A_155 : memref<1x8x128xi32, #tpu.memory_space<vmem>> -> memref<8x128xi32, #tpu.memory_space<vmem>>
      %dma_wait3A_157 = arith.constant 0 : i32
      %dma_wait3A_158 = tpu.memref_slice %arg2[%add3A_4, %dma_wait3A_157] : memref<6400x128xi32, #tpu.memory_space<hbm>> -> memref<8x128xi32, #tpu.memory_space<hbm>>
      %dma_wait3A_159 = arith.constant 0 : i32
      %dma_wait3A_160 = arith.constant 0 : i32
      %dma_wait3A_161 = tpu.memref_slice %arg5[%run_scoped3A, %dma_wait3A_159, %dma_wait3A_160] : memref<2x8x128xi32, #tpu.memory_space<vmem>> -> memref<1x8x128xi32, #tpu.memory_space<vmem>>
      %dma_wait3A_162 = tpu.memref_squeeze %dma_wait3A_161 : memref<1x8x128xi32, #tpu.memory_space<vmem>> -> memref<8x128xi32, #tpu.memory_space<vmem>>
      %dma_wait3A_163 = arith.constant 0 : i32
      %dma_wait3A_164 = tpu.memref_slice %arg2[%add3A_4, %dma_wait3A_163] : memref<6400x128xi32, #tpu.memory_space<hbm>> -> memref<8x128xi32, #tpu.memory_space<hbm>>
      tpu.wait_dma2 semaphore(%run_scoped3A_140 : memref<!tpu.dma_semaphore, #tpu.memory_space<semaphore_mem>>) src(%dma_wait3A_164 : memref<8x128xi32, #tpu.memory_space<hbm>>) dst(%dma_wait3A_162 : memref<8x128xi32, #tpu.memory_space<vmem>>)
      tpu.yield
    }) : () -> ()
    %dma_start3A = arith.constant 0 : i32
    %dma_start3A_5 = arith.constant 0 : i32
    %dma_start3A_6 = arith.constant 0 : i32
    %dma_start3A_7 = arith.constant 0 : i32
    %dma_start3A_8 = arith.constant 0 : i32
    %dma_start3A_9 = arith.constant 0 : i32
    %dma_start3A_10 = tpu.memref_slice %arg6[%dma_start3A_6, %dma_start3A_7, %dma_start3A_8, %dma_start3A_9] : memref<2x8x128x32xf32, #tpu.memory_space<vmem>> -> memref<1x1x128x32xf32, #tpu.memory_space<vmem>>
    %dma_start3A_11 = tpu.memref_squeeze %dma_start3A_10 : memref<1x1x128x32xf32, #tpu.memory_space<vmem>> -> memref<128x32xf32, #tpu.memory_space<vmem>>
    %dma_start3A_12 = arith.constant 0 : i32
    %dma_start3A_13 = tpu.memref_slice %arg5[%dma_start3A, %dma_start3A_5, %dma_start3A_12] : memref<2x8x128xi32, #tpu.memory_space<vmem>> -> memref<1x1x128xi32, #tpu.memory_space<vmem>>
    %dma_start3A_14 = tpu.memref_squeeze %dma_start3A_13 : memref<1x1x128xi32, #tpu.memory_space<vmem>> -> memref<128xi32, #tpu.memory_space<vmem>>
    %dma_start3A_15 = arith.constant 0 : i32
    %dma_start3A_16 = arith.constant 0 : i32
    %dma_start3A_17 = tpu.memref_slice %arg3[%dma_start3A_15, %dma_start3A_16] : memref<1000000x32xf32, #tpu.memory_space<hbm>> -> memref<1000000x32xf32, #tpu.memory_space<hbm>>
    tpu.enqueue_indirect_dma source(%dma_start3A_17 : memref<1000000x32xf32, #tpu.memory_space<hbm>>) target(%dma_start3A_11 : memref<128x32xf32, #tpu.memory_space<vmem>>) offsets(%dma_start3A_14 : memref<128xi32, #tpu.memory_space<vmem>>) semaphore(%arg7 : memref<!tpu.dma_semaphore, #tpu.memory_space<semaphore_mem>>)
    %dma_start3A_18 = arith.constant 0 : i32
    %dma_start3A_19 = arith.constant 1 : i32
    %dma_start3A_20 = arith.constant 0 : i32
    %dma_start3A_21 = arith.constant 1 : i32
    %dma_start3A_22 = arith.constant 0 : i32
    %dma_start3A_23 = arith.constant 0 : i32
    %dma_start3A_24 = tpu.memref_slice %arg6[%dma_start3A_20, %dma_start3A_21, %dma_start3A_22, %dma_start3A_23] : memref<2x8x128x32xf32, #tpu.memory_space<vmem>> -> memref<1x1x128x32xf32, #tpu.memory_space<vmem>>
    %dma_start3A_25 = tpu.memref_squeeze %dma_start3A_24 : memref<1x1x128x32xf32, #tpu.memory_space<vmem>> -> memref<128x32xf32, #tpu.memory_space<vmem>>
    %dma_start3A_26 = arith.constant 0 : i32
    %dma_start3A_27 = tpu.memref_slice %arg5[%dma_start3A_18, %dma_start3A_19, %dma_start3A_26] : memref<2x8x128xi32, #tpu.memory_space<vmem>> -> memref<1x1x128xi32, #tpu.memory_space<vmem>>
    %dma_start3A_28 = tpu.memref_squeeze %dma_start3A_27 : memref<1x1x128xi32, #tpu.memory_space<vmem>> -> memref<128xi32, #tpu.memory_space<vmem>>
    %dma_start3A_29 = arith.constant 0 : i32
    %dma_start3A_30 = arith.constant 0 : i32
    %dma_start3A_31 = tpu.memref_slice %arg3[%dma_start3A_29, %dma_start3A_30] : memref<1000000x32xf32, #tpu.memory_space<hbm>> -> memref<1000000x32xf32, #tpu.memory_space<hbm>>
    tpu.enqueue_indirect_dma source(%dma_start3A_31 : memref<1000000x32xf32, #tpu.memory_space<hbm>>) target(%dma_start3A_25 : memref<128x32xf32, #tpu.memory_space<vmem>>) offsets(%dma_start3A_28 : memref<128xi32, #tpu.memory_space<vmem>>) semaphore(%arg7 : memref<!tpu.dma_semaphore, #tpu.memory_space<semaphore_mem>>)
    %dma_start3A_32 = arith.constant 0 : i32
    %dma_start3A_33 = arith.constant 2 : i32
    %dma_start3A_34 = arith.constant 0 : i32
    %dma_start3A_35 = arith.constant 2 : i32
    %dma_start3A_36 = arith.constant 0 : i32
    %dma_start3A_37 = arith.constant 0 : i32
    %dma_start3A_38 = tpu.memref_slice %arg6[%dma_start3A_34, %dma_start3A_35, %dma_start3A_36, %dma_start3A_37] : memref<2x8x128x32xf32, #tpu.memory_space<vmem>> -> memref<1x1x128x32xf32, #tpu.memory_space<vmem>>
    %dma_start3A_39 = tpu.memref_squeeze %dma_start3A_38 : memref<1x1x128x32xf32, #tpu.memory_space<vmem>> -> memref<128x32xf32, #tpu.memory_space<vmem>>
    %dma_start3A_40 = arith.constant 0 : i32
    %dma_start3A_41 = tpu.memref_slice %arg5[%dma_start3A_32, %dma_start3A_33, %dma_start3A_40] : memref<2x8x128xi32, #tpu.memory_space<vmem>> -> memref<1x1x128xi32, #tpu.memory_space<vmem>>
    %dma_start3A_42 = tpu.memref_squeeze %dma_start3A_41 : memref<1x1x128xi32, #tpu.memory_space<vmem>> -> memref<128xi32, #tpu.memory_space<vmem>>
    %dma_start3A_43 = arith.constant 0 : i32
    %dma_start3A_44 = arith.constant 0 : i32
    %dma_start3A_45 = tpu.memref_slice %arg3[%dma_start3A_43, %dma_start3A_44] : memref<1000000x32xf32, #tpu.memory_space<hbm>> -> memref<1000000x32xf32, #tpu.memory_space<hbm>>
    tpu.enqueue_indirect_dma source(%dma_start3A_45 : memref<1000000x32xf32, #tpu.memory_space<hbm>>) target(%dma_start3A_39 : memref<128x32xf32, #tpu.memory_space<vmem>>) offsets(%dma_start3A_42 : memref<128xi32, #tpu.memory_space<vmem>>) semaphore(%arg7 : memref<!tpu.dma_semaphore, #tpu.memory_space<semaphore_mem>>)
    %dma_start3A_46 = arith.constant 0 : i32
    %dma_start3A_47 = arith.constant 3 : i32
    %dma_start3A_48 = arith.constant 0 : i32
    %dma_start3A_49 = arith.constant 3 : i32
    %dma_start3A_50 = arith.constant 0 : i32
    %dma_start3A_51 = arith.constant 0 : i32
    %dma_start3A_52 = tpu.memref_slice %arg6[%dma_start3A_48, %dma_start3A_49, %dma_start3A_50, %dma_start3A_51] : memref<2x8x128x32xf32, #tpu.memory_space<vmem>> -> memref<1x1x128x32xf32, #tpu.memory_space<vmem>>
    %dma_start3A_53 = tpu.memref_squeeze %dma_start3A_52 : memref<1x1x128x32xf32, #tpu.memory_space<vmem>> -> memref<128x32xf32, #tpu.memory_space<vmem>>
    %dma_start3A_54 = arith.constant 0 : i32
    %dma_start3A_55 = tpu.memref_slice %arg5[%dma_start3A_46, %dma_start3A_47, %dma_start3A_54] : memref<2x8x128xi32, #tpu.memory_space<vmem>> -> memref<1x1x128xi32, #tpu.memory_space<vmem>>
    %dma_start3A_56 = tpu.memref_squeeze %dma_start3A_55 : memref<1x1x128xi32, #tpu.memory_space<vmem>> -> memref<128xi32, #tpu.memory_space<vmem>>
    %dma_start3A_57 = arith.constant 0 : i32
    %dma_start3A_58 = arith.constant 0 : i32
    %dma_start3A_59 = tpu.memref_slice %arg3[%dma_start3A_57, %dma_start3A_58] : memref<1000000x32xf32, #tpu.memory_space<hbm>> -> memref<1000000x32xf32, #tpu.memory_space<hbm>>
    tpu.enqueue_indirect_dma source(%dma_start3A_59 : memref<1000000x32xf32, #tpu.memory_space<hbm>>) target(%dma_start3A_53 : memref<128x32xf32, #tpu.memory_space<vmem>>) offsets(%dma_start3A_56 : memref<128xi32, #tpu.memory_space<vmem>>) semaphore(%arg7 : memref<!tpu.dma_semaphore, #tpu.memory_space<semaphore_mem>>)
    %dma_start3A_60 = arith.constant 0 : i32
    %dma_start3A_61 = arith.constant 4 : i32
    %dma_start3A_62 = arith.constant 0 : i32
    %dma_start3A_63 = arith.constant 4 : i32
    %dma_start3A_64 = arith.constant 0 : i32
    %dma_start3A_65 = arith.constant 0 : i32
    %dma_start3A_66 = tpu.memref_slice %arg6[%dma_start3A_62, %dma_start3A_63, %dma_start3A_64, %dma_start3A_65] : memref<2x8x128x32xf32, #tpu.memory_space<vmem>> -> memref<1x1x128x32xf32, #tpu.memory_space<vmem>>
    %dma_start3A_67 = tpu.memref_squeeze %dma_start3A_66 : memref<1x1x128x32xf32, #tpu.memory_space<vmem>> -> memref<128x32xf32, #tpu.memory_space<vmem>>
    %dma_start3A_68 = arith.constant 0 : i32
    %dma_start3A_69 = tpu.memref_slice %arg5[%dma_start3A_60, %dma_start3A_61, %dma_start3A_68] : memref<2x8x128xi32, #tpu.memory_space<vmem>> -> memref<1x1x128xi32, #tpu.memory_space<vmem>>
    %dma_start3A_70 = tpu.memref_squeeze %dma_start3A_69 : memref<1x1x128xi32, #tpu.memory_space<vmem>> -> memref<128xi32, #tpu.memory_space<vmem>>
    %dma_start3A_71 = arith.constant 0 : i32
    %dma_start3A_72 = arith.constant 0 : i32
    %dma_start3A_73 = tpu.memref_slice %arg3[%dma_start3A_71, %dma_start3A_72] : memref<1000000x32xf32, #tpu.memory_space<hbm>> -> memref<1000000x32xf32, #tpu.memory_space<hbm>>
    tpu.enqueue_indirect_dma source(%dma_start3A_73 : memref<1000000x32xf32, #tpu.memory_space<hbm>>) target(%dma_start3A_67 : memref<128x32xf32, #tpu.memory_space<vmem>>) offsets(%dma_start3A_70 : memref<128xi32, #tpu.memory_space<vmem>>) semaphore(%arg7 : memref<!tpu.dma_semaphore, #tpu.memory_space<semaphore_mem>>)
    %dma_start3A_74 = arith.constant 0 : i32
    %dma_start3A_75 = arith.constant 5 : i32
    %dma_start3A_76 = arith.constant 0 : i32
    %dma_start3A_77 = arith.constant 5 : i32
    %dma_start3A_78 = arith.constant 0 : i32
    %dma_start3A_79 = arith.constant 0 : i32
    %dma_start3A_80 = tpu.memref_slice %arg6[%dma_start3A_76, %dma_start3A_77, %dma_start3A_78, %dma_start3A_79] : memref<2x8x128x32xf32, #tpu.memory_space<vmem>> -> memref<1x1x128x32xf32, #tpu.memory_space<vmem>>
    %dma_start3A_81 = tpu.memref_squeeze %dma_start3A_80 : memref<1x1x128x32xf32, #tpu.memory_space<vmem>> -> memref<128x32xf32, #tpu.memory_space<vmem>>
    %dma_start3A_82 = arith.constant 0 : i32
    %dma_start3A_83 = tpu.memref_slice %arg5[%dma_start3A_74, %dma_start3A_75, %dma_start3A_82] : memref<2x8x128xi32, #tpu.memory_space<vmem>> -> memref<1x1x128xi32, #tpu.memory_space<vmem>>
    %dma_start3A_84 = tpu.memref_squeeze %dma_start3A_83 : memref<1x1x128xi32, #tpu.memory_space<vmem>> -> memref<128xi32, #tpu.memory_space<vmem>>
    %dma_start3A_85 = arith.constant 0 : i32
    %dma_start3A_86 = arith.constant 0 : i32
    %dma_start3A_87 = tpu.memref_slice %arg3[%dma_start3A_85, %dma_start3A_86] : memref<1000000x32xf32, #tpu.memory_space<hbm>> -> memref<1000000x32xf32, #tpu.memory_space<hbm>>
    tpu.enqueue_indirect_dma source(%dma_start3A_87 : memref<1000000x32xf32, #tpu.memory_space<hbm>>) target(%dma_start3A_81 : memref<128x32xf32, #tpu.memory_space<vmem>>) offsets(%dma_start3A_84 : memref<128xi32, #tpu.memory_space<vmem>>) semaphore(%arg7 : memref<!tpu.dma_semaphore, #tpu.memory_space<semaphore_mem>>)
    %dma_start3A_88 = arith.constant 0 : i32
    %dma_start3A_89 = arith.constant 6 : i32
    %dma_start3A_90 = arith.constant 0 : i32
    %dma_start3A_91 = arith.constant 6 : i32
    %dma_start3A_92 = arith.constant 0 : i32
    %dma_start3A_93 = arith.constant 0 : i32
    %dma_start3A_94 = tpu.memref_slice %arg6[%dma_start3A_90, %dma_start3A_91, %dma_start3A_92, %dma_start3A_93] : memref<2x8x128x32xf32, #tpu.memory_space<vmem>> -> memref<1x1x128x32xf32, #tpu.memory_space<vmem>>
    %dma_start3A_95 = tpu.memref_squeeze %dma_start3A_94 : memref<1x1x128x32xf32, #tpu.memory_space<vmem>> -> memref<128x32xf32, #tpu.memory_space<vmem>>
    %dma_start3A_96 = arith.constant 0 : i32
    %dma_start3A_97 = tpu.memref_slice %arg5[%dma_start3A_88, %dma_start3A_89, %dma_start3A_96] : memref<2x8x128xi32, #tpu.memory_space<vmem>> -> memref<1x1x128xi32, #tpu.memory_space<vmem>>
    %dma_start3A_98 = tpu.memref_squeeze %dma_start3A_97 : memref<1x1x128xi32, #tpu.memory_space<vmem>> -> memref<128xi32, #tpu.memory_space<vmem>>
    %dma_start3A_99 = arith.constant 0 : i32
    %dma_start3A_100 = arith.constant 0 : i32
    %dma_start3A_101 = tpu.memref_slice %arg3[%dma_start3A_99, %dma_start3A_100] : memref<1000000x32xf32, #tpu.memory_space<hbm>> -> memref<1000000x32xf32, #tpu.memory_space<hbm>>
    tpu.enqueue_indirect_dma source(%dma_start3A_101 : memref<1000000x32xf32, #tpu.memory_space<hbm>>) target(%dma_start3A_95 : memref<128x32xf32, #tpu.memory_space<vmem>>) offsets(%dma_start3A_98 : memref<128xi32, #tpu.memory_space<vmem>>) semaphore(%arg7 : memref<!tpu.dma_semaphore, #tpu.memory_space<semaphore_mem>>)
    %dma_start3A_102 = arith.constant 0 : i32
    %dma_start3A_103 = arith.constant 7 : i32
    %dma_start3A_104 = arith.constant 0 : i32
    %dma_start3A_105 = arith.constant 7 : i32
    %dma_start3A_106 = arith.constant 0 : i32
    %dma_start3A_107 = arith.constant 0 : i32
    %dma_start3A_108 = tpu.memref_slice %arg6[%dma_start3A_104, %dma_start3A_105, %dma_start3A_106, %dma_start3A_107] : memref<2x8x128x32xf32, #tpu.memory_space<vmem>> -> memref<1x1x128x32xf32, #tpu.memory_space<vmem>>
    %dma_start3A_109 = tpu.memref_squeeze %dma_start3A_108 : memref<1x1x128x32xf32, #tpu.memory_space<vmem>> -> memref<128x32xf32, #tpu.memory_space<vmem>>
    %dma_start3A_110 = arith.constant 0 : i32
    %dma_start3A_111 = tpu.memref_slice %arg5[%dma_start3A_102, %dma_start3A_103, %dma_start3A_110] : memref<2x8x128xi32, #tpu.memory_space<vmem>> -> memref<1x1x128xi32, #tpu.memory_space<vmem>>
    %dma_start3A_112 = tpu.memref_squeeze %dma_start3A_111 : memref<1x1x128xi32, #tpu.memory_space<vmem>> -> memref<128xi32, #tpu.memory_space<vmem>>
    %dma_start3A_113 = arith.constant 0 : i32
    %dma_start3A_114 = arith.constant 0 : i32
    %dma_start3A_115 = tpu.memref_slice %arg3[%dma_start3A_113, %dma_start3A_114] : memref<1000000x32xf32, #tpu.memory_space<hbm>> -> memref<1000000x32xf32, #tpu.memory_space<hbm>>
    tpu.enqueue_indirect_dma source(%dma_start3A_115 : memref<1000000x32xf32, #tpu.memory_space<hbm>>) target(%dma_start3A_109 : memref<128x32xf32, #tpu.memory_space<vmem>>) offsets(%dma_start3A_112 : memref<128xi32, #tpu.memory_space<vmem>>) semaphore(%arg7 : memref<!tpu.dma_semaphore, #tpu.memory_space<semaphore_mem>>)
    %scan3A = arith.constant 0 : i32
    %scan3A_116 = arith.constant 0 : i32
    %scan3A_117 = arith.constant 12 : i32
    %scan3A_118 = arith.addi %scan3A_116, %scan3A_117 : i32
    %scan3A_119 = arith.constant 1 : i32
    scf.for %scan3A_140 = %scan3A_116 to %scan3A_118 step %scan3A_119  : i32 {
      %mul3A_141 = arith.constant 2 : i32
      %mul3A_142 = arith.muli %scan3A_140, %mul3A_141 : i32
      %add3A_143 = arith.constant 1 : i32
      %add3A_144 = arith.addi %mul3A_142, %add3A_143 : i32
      %mul3A_145 = arith.constant 8 : i32
      %mul3A_146 = arith.muli %add3A_144, %mul3A_145 : i32
      %add3A_147 = arith.addi %mul3A_2, %mul3A_146 : i32
      %run_scoped3A_148 = arith.constant 1 : i32
      "tpu.region"() ({
        %run_scoped3A_423 = tpu.sem_alloc : memref<!tpu.dma_semaphore, #tpu.memory_space<semaphore_mem>>
        %dma_start3A_424 = arith.constant 0 : i32
        %dma_start3A_425 = arith.constant 0 : i32
        %dma_start3A_426 = tpu.memref_slice %arg5[%run_scoped3A_148, %dma_start3A_424, %dma_start3A_425] : memref<2x8x128xi32, #tpu.memory_space<vmem>> -> memref<1x8x128xi32, #tpu.memory_space<vmem>>
        %dma_start3A_427 = tpu.memref_squeeze %dma_start3A_426 : memref<1x8x128xi32, #tpu.memory_space<vmem>> -> memref<8x128xi32, #tpu.memory_space<vmem>>
        %dma_start3A_428 = arith.constant 0 : i32
        %dma_start3A_429 = tpu.memref_slice %arg2[%add3A_147, %dma_start3A_428] : memref<6400x128xi32, #tpu.memory_space<hbm>> -> memref<8x128xi32, #tpu.memory_space<hbm>>
        %dma_start3A_430 = arith.constant 0 : i32
        %dma_start3A_431 = arith.constant 0 : i32
        %dma_start3A_432 = tpu.memref_slice %arg5[%run_scoped3A_148, %dma_start3A_430, %dma_start3A_431] : memref<2x8x128xi32, #tpu.memory_space<vmem>> -> memref<1x8x128xi32, #tpu.memory_space<vmem>>
        %dma_start3A_433 = tpu.memref_squeeze %dma_start3A_432 : memref<1x8x128xi32, #tpu.memory_space<vmem>> -> memref<8x128xi32, #tpu.memory_space<vmem>>
        %dma_start3A_434 = arith.constant 0 : i32
        %dma_start3A_435 = tpu.memref_slice %arg2[%add3A_147, %dma_start3A_434] : memref<6400x128xi32, #tpu.memory_space<hbm>> -> memref<8x128xi32, #tpu.memory_space<hbm>>
        tpu.enqueue_dma source(%dma_start3A_435 : memref<8x128xi32, #tpu.memory_space<hbm>>) target(%dma_start3A_433 : memref<8x128xi32, #tpu.memory_space<vmem>>) target_semaphore(%run_scoped3A_423 : memref<!tpu.dma_semaphore, #tpu.memory_space<semaphore_mem>>)
        %dma_wait3A_436 = arith.constant 0 : i32
        %dma_wait3A_437 = arith.constant 0 : i32
        %dma_wait3A_438 = tpu.memref_slice %arg5[%run_scoped3A_148, %dma_wait3A_436, %dma_wait3A_437] : memref<2x8x128xi32, #tpu.memory_space<vmem>> -> memref<1x8x128xi32, #tpu.memory_space<vmem>>
        %dma_wait3A_439 = tpu.memref_squeeze %dma_wait3A_438 : memref<1x8x128xi32, #tpu.memory_space<vmem>> -> memref<8x128xi32, #tpu.memory_space<vmem>>
        %dma_wait3A_440 = arith.constant 0 : i32
        %dma_wait3A_441 = tpu.memref_slice %arg2[%add3A_147, %dma_wait3A_440] : memref<6400x128xi32, #tpu.memory_space<hbm>> -> memref<8x128xi32, #tpu.memory_space<hbm>>
        %dma_wait3A_442 = arith.constant 0 : i32
        %dma_wait3A_443 = arith.constant 0 : i32
        %dma_wait3A_444 = tpu.memref_slice %arg5[%run_scoped3A_148, %dma_wait3A_442, %dma_wait3A_443] : memref<2x8x128xi32, #tpu.memory_space<vmem>> -> memref<1x8x128xi32, #tpu.memory_space<vmem>>
        %dma_wait3A_445 = tpu.memref_squeeze %dma_wait3A_444 : memref<1x8x128xi32, #tpu.memory_space<vmem>> -> memref<8x128xi32, #tpu.memory_space<vmem>>
        %dma_wait3A_446 = arith.constant 0 : i32
        %dma_wait3A_447 = tpu.memref_slice %arg2[%add3A_147, %dma_wait3A_446] : memref<6400x128xi32, #tpu.memory_space<hbm>> -> memref<8x128xi32, #tpu.memory_space<hbm>>
        tpu.wait_dma2 semaphore(%run_scoped3A_423 : memref<!tpu.dma_semaphore, #tpu.memory_space<semaphore_mem>>) src(%dma_wait3A_447 : memref<8x128xi32, #tpu.memory_space<hbm>>) dst(%dma_wait3A_445 : memref<8x128xi32, #tpu.memory_space<vmem>>)
        tpu.yield
      }) : () -> ()
      %dma_start3A_149 = arith.constant 1 : i32
      %dma_start3A_150 = arith.constant 0 : i32
      %dma_start3A_151 = arith.constant 1 : i32
      %dma_start3A_152 = arith.constant 0 : i32
      %dma_start3A_153 = arith.constant 0 : i32
      %dma_start3A_154 = arith.constant 0 : i32
      %dma_start3A_155 = tpu.memref_slice %arg6[%dma_start3A_151, %dma_start3A_152, %dma_start3A_153, %dma_start3A_154] : memref<2x8x128x32xf32, #tpu.memory_space<vmem>> -> memref<1x1x128x32xf32, #tpu.memory_space<vmem>>
      %dma_start3A_156 = tpu.memref_squeeze %dma_start3A_155 : memref<1x1x128x32xf32, #tpu.memory_space<vmem>> -> memref<128x32xf32, #tpu.memory_space<vmem>>
      %dma_start3A_157 = arith.constant 0 : i32
      %dma_start3A_158 = tpu.memref_slice %arg5[%dma_start3A_149, %dma_start3A_150, %dma_start3A_157] : memref<2x8x128xi32, #tpu.memory_space<vmem>> -> memref<1x1x128xi32, #tpu.memory_space<vmem>>
      %dma_start3A_159 = tpu.memref_squeeze %dma_start3A_158 : memref<1x1x128xi32, #tpu.memory_space<vmem>> -> memref<128xi32, #tpu.memory_space<vmem>>
      %dma_start3A_160 = arith.constant 0 : i32
      %dma_start3A_161 = arith.constant 0 : i32
      %dma_start3A_162 = tpu.memref_slice %arg3[%dma_start3A_160, %dma_start3A_161] : memref<1000000x32xf32, #tpu.memory_space<hbm>> -> memref<1000000x32xf32, #tpu.memory_space<hbm>>
      tpu.enqueue_indirect_dma source(%dma_start3A_162 : memref<1000000x32xf32, #tpu.memory_space<hbm>>) target(%dma_start3A_156 : memref<128x32xf32, #tpu.memory_space<vmem>>) offsets(%dma_start3A_159 : memref<128xi32, #tpu.memory_space<vmem>>) semaphore(%arg8 : memref<!tpu.dma_semaphore, #tpu.memory_space<semaphore_mem>>)
      %dma_start3A_163 = arith.constant 1 : i32
      %dma_start3A_164 = arith.constant 1 : i32
      %dma_start3A_165 = arith.constant 1 : i32
      %dma_start3A_166 = arith.constant 1 : i32
      %dma_start3A_167 = arith.constant 0 : i32
      %dma_start3A_168 = arith.constant 0 : i32
      %dma_start3A_169 = tpu.memref_slice %arg6[%dma_start3A_165, %dma_start3A_166, %dma_start3A_167, %dma_start3A_168] : memref<2x8x128x32xf32, #tpu.memory_space<vmem>> -> memref<1x1x128x32xf32, #tpu.memory_space<vmem>>
      %dma_start3A_170 = tpu.memref_squeeze %dma_start3A_169 : memref<1x1x128x32xf32, #tpu.memory_space<vmem>> -> memref<128x32xf32, #tpu.memory_space<vmem>>
      %dma_start3A_171 = arith.constant 0 : i32
      %dma_start3A_172 = tpu.memref_slice %arg5[%dma_start3A_163, %dma_start3A_164, %dma_start3A_171] : memref<2x8x128xi32, #tpu.memory_space<vmem>> -> memref<1x1x128xi32, #tpu.memory_space<vmem>>
      %dma_start3A_173 = tpu.memref_squeeze %dma_start3A_172 : memref<1x1x128xi32, #tpu.memory_space<vmem>> -> memref<128xi32, #tpu.memory_space<vmem>>
      %dma_start3A_174 = arith.constant 0 : i32
      %dma_start3A_175 = arith.constant 0 : i32
      %dma_start3A_176 = tpu.memref_slice %arg3[%dma_start3A_174, %dma_start3A_175] : memref<1000000x32xf32, #tpu.memory_space<hbm>> -> memref<1000000x32xf32, #tpu.memory_space<hbm>>
      tpu.enqueue_indirect_dma source(%dma_start3A_176 : memref<1000000x32xf32, #tpu.memory_space<hbm>>) target(%dma_start3A_170 : memref<128x32xf32, #tpu.memory_space<vmem>>) offsets(%dma_start3A_173 : memref<128xi32, #tpu.memory_space<vmem>>) semaphore(%arg8 : memref<!tpu.dma_semaphore, #tpu.memory_space<semaphore_mem>>)
      %dma_start3A_177 = arith.constant 1 : i32
      %dma_start3A_178 = arith.constant 2 : i32
      %dma_start3A_179 = arith.constant 1 : i32
      %dma_start3A_180 = arith.constant 2 : i32
      %dma_start3A_181 = arith.constant 0 : i32
      %dma_start3A_182 = arith.constant 0 : i32
      %dma_start3A_183 = tpu.memref_slice %arg6[%dma_start3A_179, %dma_start3A_180, %dma_start3A_181, %dma_start3A_182] : memref<2x8x128x32xf32, #tpu.memory_space<vmem>> -> memref<1x1x128x32xf32, #tpu.memory_space<vmem>>
      %dma_start3A_184 = tpu.memref_squeeze %dma_start3A_183 : memref<1x1x128x32xf32, #tpu.memory_space<vmem>> -> memref<128x32xf32, #tpu.memory_space<vmem>>
      %dma_start3A_185 = arith.constant 0 : i32
      %dma_start3A_186 = tpu.memref_slice %arg5[%dma_start3A_177, %dma_start3A_178, %dma_start3A_185] : memref<2x8x128xi32, #tpu.memory_space<vmem>> -> memref<1x1x128xi32, #tpu.memory_space<vmem>>
      %dma_start3A_187 = tpu.memref_squeeze %dma_start3A_186 : memref<1x1x128xi32, #tpu.memory_space<vmem>> -> memref<128xi32, #tpu.memory_space<vmem>>
      %dma_start3A_188 = arith.constant 0 : i32
      %dma_start3A_189 = arith.constant 0 : i32
      %dma_start3A_190 = tpu.memref_slice %arg3[%dma_start3A_188, %dma_start3A_189] : memref<1000000x32xf32, #tpu.memory_space<hbm>> -> memref<1000000x32xf32, #tpu.memory_space<hbm>>
      tpu.enqueue_indirect_dma source(%dma_start3A_190 : memref<1000000x32xf32, #tpu.memory_space<hbm>>) target(%dma_start3A_184 : memref<128x32xf32, #tpu.memory_space<vmem>>) offsets(%dma_start3A_187 : memref<128xi32, #tpu.memory_space<vmem>>) semaphore(%arg8 : memref<!tpu.dma_semaphore, #tpu.memory_space<semaphore_mem>>)
      %dma_start3A_191 = arith.constant 1 : i32
      %dma_start3A_192 = arith.constant 3 : i32
      %dma_start3A_193 = arith.constant 1 : i32
      %dma_start3A_194 = arith.constant 3 : i32
      %dma_start3A_195 = arith.constant 0 : i32
      %dma_start3A_196 = arith.constant 0 : i32
      %dma_start3A_197 = tpu.memref_slice %arg6[%dma_start3A_193, %dma_start3A_194, %dma_start3A_195, %dma_start3A_196] : memref<2x8x128x32xf32, #tpu.memory_space<vmem>> -> memref<1x1x128x32xf32, #tpu.memory_space<vmem>>
      %dma_start3A_198 = tpu.memref_squeeze %dma_start3A_197 : memref<1x1x128x32xf32, #tpu.memory_space<vmem>> -> memref<128x32xf32, #tpu.memory_space<vmem>>
      %dma_start3A_199 = arith.constant 0 : i32
      %dma_start3A_200 = tpu.memref_slice %arg5[%dma_start3A_191, %dma_start3A_192, %dma_start3A_199] : memref<2x8x128xi32, #tpu.memory_space<vmem>> -> memref<1x1x128xi32, #tpu.memory_space<vmem>>
      %dma_start3A_201 = tpu.memref_squeeze %dma_start3A_200 : memref<1x1x128xi32, #tpu.memory_space<vmem>> -> memref<128xi32, #tpu.memory_space<vmem>>
      %dma_start3A_202 = arith.constant 0 : i32
      %dma_start3A_203 = arith.constant 0 : i32
      %dma_start3A_204 = tpu.memref_slice %arg3[%dma_start3A_202, %dma_start3A_203] : memref<1000000x32xf32, #tpu.memory_space<hbm>> -> memref<1000000x32xf32, #tpu.memory_space<hbm>>
      tpu.enqueue_indirect_dma source(%dma_start3A_204 : memref<1000000x32xf32, #tpu.memory_space<hbm>>) target(%dma_start3A_198 : memref<128x32xf32, #tpu.memory_space<vmem>>) offsets(%dma_start3A_201 : memref<128xi32, #tpu.memory_space<vmem>>) semaphore(%arg8 : memref<!tpu.dma_semaphore, #tpu.memory_space<semaphore_mem>>)
      %dma_start3A_205 = arith.constant 1 : i32
      %dma_start3A_206 = arith.constant 4 : i32
      %dma_start3A_207 = arith.constant 1 : i32
      %dma_start3A_208 = arith.constant 4 : i32
      %dma_start3A_209 = arith.constant 0 : i32
      %dma_start3A_210 = arith.constant 0 : i32
      %dma_start3A_211 = tpu.memref_slice %arg6[%dma_start3A_207, %dma_start3A_208, %dma_start3A_209, %dma_start3A_210] : memref<2x8x128x32xf32, #tpu.memory_space<vmem>> -> memref<1x1x128x32xf32, #tpu.memory_space<vmem>>
      %dma_start3A_212 = tpu.memref_squeeze %dma_start3A_211 : memref<1x1x128x32xf32, #tpu.memory_space<vmem>> -> memref<128x32xf32, #tpu.memory_space<vmem>>
      %dma_start3A_213 = arith.constant 0 : i32
      %dma_start3A_214 = tpu.memref_slice %arg5[%dma_start3A_205, %dma_start3A_206, %dma_start3A_213] : memref<2x8x128xi32, #tpu.memory_space<vmem>> -> memref<1x1x128xi32, #tpu.memory_space<vmem>>
      %dma_start3A_215 = tpu.memref_squeeze %dma_start3A_214 : memref<1x1x128xi32, #tpu.memory_space<vmem>> -> memref<128xi32, #tpu.memory_space<vmem>>
      %dma_start3A_216 = arith.constant 0 : i32
      %dma_start3A_217 = arith.constant 0 : i32
      %dma_start3A_218 = tpu.memref_slice %arg3[%dma_start3A_216, %dma_start3A_217] : memref<1000000x32xf32, #tpu.memory_space<hbm>> -> memref<1000000x32xf32, #tpu.memory_space<hbm>>
      tpu.enqueue_indirect_dma source(%dma_start3A_218 : memref<1000000x32xf32, #tpu.memory_space<hbm>>) target(%dma_start3A_212 : memref<128x32xf32, #tpu.memory_space<vmem>>) offsets(%dma_start3A_215 : memref<128xi32, #tpu.memory_space<vmem>>) semaphore(%arg8 : memref<!tpu.dma_semaphore, #tpu.memory_space<semaphore_mem>>)
      %dma_start3A_219 = arith.constant 1 : i32
      %dma_start3A_220 = arith.constant 5 : i32
      %dma_start3A_221 = arith.constant 1 : i32
      %dma_start3A_222 = arith.constant 5 : i32
      %dma_start3A_223 = arith.constant 0 : i32
      %dma_start3A_224 = arith.constant 0 : i32
      %dma_start3A_225 = tpu.memref_slice %arg6[%dma_start3A_221, %dma_start3A_222, %dma_start3A_223, %dma_start3A_224] : memref<2x8x128x32xf32, #tpu.memory_space<vmem>> -> memref<1x1x128x32xf32, #tpu.memory_space<vmem>>
      %dma_start3A_226 = tpu.memref_squeeze %dma_start3A_225 : memref<1x1x128x32xf32, #tpu.memory_space<vmem>> -> memref<128x32xf32, #tpu.memory_space<vmem>>
      %dma_start3A_227 = arith.constant 0 : i32
      %dma_start3A_228 = tpu.memref_slice %arg5[%dma_start3A_219, %dma_start3A_220, %dma_start3A_227] : memref<2x8x128xi32, #tpu.memory_space<vmem>> -> memref<1x1x128xi32, #tpu.memory_space<vmem>>
      %dma_start3A_229 = tpu.memref_squeeze %dma_start3A_228 : memref<1x1x128xi32, #tpu.memory_space<vmem>> -> memref<128xi32, #tpu.memory_space<vmem>>
      %dma_start3A_230 = arith.constant 0 : i32
      %dma_start3A_231 = arith.constant 0 : i32
      %dma_start3A_232 = tpu.memref_slice %arg3[%dma_start3A_230, %dma_start3A_231] : memref<1000000x32xf32, #tpu.memory_space<hbm>> -> memref<1000000x32xf32, #tpu.memory_space<hbm>>
      tpu.enqueue_indirect_dma source(%dma_start3A_232 : memref<1000000x32xf32, #tpu.memory_space<hbm>>) target(%dma_start3A_226 : memref<128x32xf32, #tpu.memory_space<vmem>>) offsets(%dma_start3A_229 : memref<128xi32, #tpu.memory_space<vmem>>) semaphore(%arg8 : memref<!tpu.dma_semaphore, #tpu.memory_space<semaphore_mem>>)
      %dma_start3A_233 = arith.constant 1 : i32
      %dma_start3A_234 = arith.constant 6 : i32
      %dma_start3A_235 = arith.constant 1 : i32
      %dma_start3A_236 = arith.constant 6 : i32
      %dma_start3A_237 = arith.constant 0 : i32
      %dma_start3A_238 = arith.constant 0 : i32
      %dma_start3A_239 = tpu.memref_slice %arg6[%dma_start3A_235, %dma_start3A_236, %dma_start3A_237, %dma_start3A_238] : memref<2x8x128x32xf32, #tpu.memory_space<vmem>> -> memref<1x1x128x32xf32, #tpu.memory_space<vmem>>
      %dma_start3A_240 = tpu.memref_squeeze %dma_start3A_239 : memref<1x1x128x32xf32, #tpu.memory_space<vmem>> -> memref<128x32xf32, #tpu.memory_space<vmem>>
      %dma_start3A_241 = arith.constant 0 : i32
      %dma_start3A_242 = tpu.memref_slice %arg5[%dma_start3A_233, %dma_start3A_234, %dma_start3A_241] : memref<2x8x128xi32, #tpu.memory_space<vmem>> -> memref<1x1x128xi32, #tpu.memory_space<vmem>>
      %dma_start3A_243 = tpu.memref_squeeze %dma_start3A_242 : memref<1x1x128xi32, #tpu.memory_space<vmem>> -> memref<128xi32, #tpu.memory_space<vmem>>
      %dma_start3A_244 = arith.constant 0 : i32
      %dma_start3A_245 = arith.constant 0 : i32
      %dma_start3A_246 = tpu.memref_slice %arg3[%dma_start3A_244, %dma_start3A_245] : memref<1000000x32xf32, #tpu.memory_space<hbm>> -> memref<1000000x32xf32, #tpu.memory_space<hbm>>
      tpu.enqueue_indirect_dma source(%dma_start3A_246 : memref<1000000x32xf32, #tpu.memory_space<hbm>>) target(%dma_start3A_240 : memref<128x32xf32, #tpu.memory_space<vmem>>) offsets(%dma_start3A_243 : memref<128xi32, #tpu.memory_space<vmem>>) semaphore(%arg8 : memref<!tpu.dma_semaphore, #tpu.memory_space<semaphore_mem>>)
      %dma_start3A_247 = arith.constant 1 : i32
      %dma_start3A_248 = arith.constant 7 : i32
      %dma_start3A_249 = arith.constant 1 : i32
      %dma_start3A_250 = arith.constant 7 : i32
      %dma_start3A_251 = arith.constant 0 : i32
      %dma_start3A_252 = arith.constant 0 : i32
      %dma_start3A_253 = tpu.memref_slice %arg6[%dma_start3A_249, %dma_start3A_250, %dma_start3A_251, %dma_start3A_252] : memref<2x8x128x32xf32, #tpu.memory_space<vmem>> -> memref<1x1x128x32xf32, #tpu.memory_space<vmem>>
      %dma_start3A_254 = tpu.memref_squeeze %dma_start3A_253 : memref<1x1x128x32xf32, #tpu.memory_space<vmem>> -> memref<128x32xf32, #tpu.memory_space<vmem>>
      %dma_start3A_255 = arith.constant 0 : i32
      %dma_start3A_256 = tpu.memref_slice %arg5[%dma_start3A_247, %dma_start3A_248, %dma_start3A_255] : memref<2x8x128xi32, #tpu.memory_space<vmem>> -> memref<1x1x128xi32, #tpu.memory_space<vmem>>
      %dma_start3A_257 = tpu.memref_squeeze %dma_start3A_256 : memref<1x1x128xi32, #tpu.memory_space<vmem>> -> memref<128xi32, #tpu.memory_space<vmem>>
      %dma_start3A_258 = arith.constant 0 : i32
      %dma_start3A_259 = arith.constant 0 : i32
      %dma_start3A_260 = tpu.memref_slice %arg3[%dma_start3A_258, %dma_start3A_259] : memref<1000000x32xf32, #tpu.memory_space<hbm>> -> memref<1000000x32xf32, #tpu.memory_space<hbm>>
      tpu.enqueue_indirect_dma source(%dma_start3A_260 : memref<1000000x32xf32, #tpu.memory_space<hbm>>) target(%dma_start3A_254 : memref<128x32xf32, #tpu.memory_space<vmem>>) offsets(%dma_start3A_257 : memref<128xi32, #tpu.memory_space<vmem>>) semaphore(%arg8 : memref<!tpu.dma_semaphore, #tpu.memory_space<semaphore_mem>>)
      %mul3A_261 = arith.constant 8 : i32
      %mul3A_262 = arith.muli %mul3A_142, %mul3A_261 : i32
      %add3A_263 = arith.addi %mul3A_2, %mul3A_262 : i32
      %dma_wait3A_264 = arith.constant 0 : i32
      %dma_wait3A_265 = arith.constant 0 : i32
      %dma_wait3A_266 = arith.constant 0 : i32
      %dma_wait3A_267 = arith.constant 0 : i32
      %dma_wait3A_268 = tpu.memref_slice %arg6[%dma_wait3A_264, %dma_wait3A_265, %dma_wait3A_266, %dma_wait3A_267] : memref<2x8x128x32xf32, #tpu.memory_space<vmem>> -> memref<1x8x128x32xf32, #tpu.memory_space<vmem>>
      %dma_wait3A_269 = tpu.memref_squeeze %dma_wait3A_268 : memref<1x8x128x32xf32, #tpu.memory_space<vmem>> -> memref<8x128x32xf32, #tpu.memory_space<vmem>>
      %dma_wait3A_270 = arith.constant 0 : i32
      %dma_wait3A_271 = arith.constant 0 : i32
      %dma_wait3A_272 = tpu.memref_slice %arg4[%add3A_263, %dma_wait3A_270, %dma_wait3A_271] : memref<6400x128x32xf32, #tpu.memory_space<hbm>> -> memref<8x128x32xf32, #tpu.memory_space<hbm>>
      %dma_wait3A_273 = arith.constant 0 : i32
      %dma_wait3A_274 = arith.constant 0 : i32
      %dma_wait3A_275 = arith.constant 0 : i32
      %dma_wait3A_276 = tpu.memref_slice %arg6[%dma_wait3A_264, %dma_wait3A_273, %dma_wait3A_274, %dma_wait3A_275] : memref<2x8x128x32xf32, #tpu.memory_space<vmem>> -> memref<1x8x128x32xf32, #tpu.memory_space<vmem>>
      %dma_wait3A_277 = tpu.memref_squeeze %dma_wait3A_276 : memref<1x8x128x32xf32, #tpu.memory_space<vmem>> -> memref<8x128x32xf32, #tpu.memory_space<vmem>>
      %dma_wait3A_278 = arith.constant 0 : i32
      %dma_wait3A_279 = arith.constant 0 : i32
      %dma_wait3A_280 = tpu.memref_slice %arg4[%add3A_263, %dma_wait3A_278, %dma_wait3A_279] : memref<6400x128x32xf32, #tpu.memory_space<hbm>> -> memref<8x128x32xf32, #tpu.memory_space<hbm>>
      tpu.wait_dma2 semaphore(%arg7 : memref<!tpu.dma_semaphore, #tpu.memory_space<semaphore_mem>>) src(%dma_wait3A_280 : memref<8x128x32xf32, #tpu.memory_space<hbm>>) dst(%dma_wait3A_277 : memref<8x128x32xf32, #tpu.memory_space<vmem>>)
      %run_scoped3A_281 = arith.constant 0 : i32
      "tpu.region"() ({
        %run_scoped3A_423 = tpu.sem_alloc : memref<!tpu.dma_semaphore, #tpu.memory_space<semaphore_mem>>
        %dma_start3A_424 = arith.constant 0 : i32
        %dma_start3A_425 = arith.constant 0 : i32
        %dma_start3A_426 = arith.constant 0 : i32
        %dma_start3A_427 = tpu.memref_slice %arg6[%run_scoped3A_281, %dma_start3A_424, %dma_start3A_425, %dma_start3A_426] : memref<2x8x128x32xf32, #tpu.memory_space<vmem>> -> memref<1x8x128x32xf32, #tpu.memory_space<vmem>>
        %dma_start3A_428 = tpu.memref_squeeze %dma_start3A_427 : memref<1x8x128x32xf32, #tpu.memory_space<vmem>> -> memref<8x128x32xf32, #tpu.memory_space<vmem>>
        %dma_start3A_429 = arith.constant 0 : i32
        %dma_start3A_430 = arith.constant 0 : i32
        %dma_start3A_431 = tpu.memref_slice %arg4[%add3A_263, %dma_start3A_429, %dma_start3A_430] : memref<6400x128x32xf32, #tpu.memory_space<hbm>> -> memref<8x128x32xf32, #tpu.memory_space<hbm>>
        %dma_start3A_432 = arith.constant 0 : i32
        %dma_start3A_433 = arith.constant 0 : i32
        %dma_start3A_434 = tpu.memref_slice %arg4[%add3A_263, %dma_start3A_432, %dma_start3A_433] : memref<6400x128x32xf32, #tpu.memory_space<hbm>> -> memref<8x128x32xf32, #tpu.memory_space<hbm>>
        %dma_start3A_435 = arith.constant 0 : i32
        %dma_start3A_436 = arith.constant 0 : i32
        %dma_start3A_437 = arith.constant 0 : i32
        %dma_start3A_438 = tpu.memref_slice %arg6[%run_scoped3A_281, %dma_start3A_435, %dma_start3A_436, %dma_start3A_437] : memref<2x8x128x32xf32, #tpu.memory_space<vmem>> -> memref<1x8x128x32xf32, #tpu.memory_space<vmem>>
        %dma_start3A_439 = tpu.memref_squeeze %dma_start3A_438 : memref<1x8x128x32xf32, #tpu.memory_space<vmem>> -> memref<8x128x32xf32, #tpu.memory_space<vmem>>
        tpu.enqueue_dma source(%dma_start3A_439 : memref<8x128x32xf32, #tpu.memory_space<vmem>>) target(%dma_start3A_434 : memref<8x128x32xf32, #tpu.memory_space<hbm>>) target_semaphore(%run_scoped3A_423 : memref<!tpu.dma_semaphore, #tpu.memory_space<semaphore_mem>>)
        %dma_wait3A_440 = arith.constant 0 : i32
        %dma_wait3A_441 = arith.constant 0 : i32
        %dma_wait3A_442 = arith.constant 0 : i32
        %dma_wait3A_443 = tpu.memref_slice %arg6[%run_scoped3A_281, %dma_wait3A_440, %dma_wait3A_441, %dma_wait3A_442] : memref<2x8x128x32xf32, #tpu.memory_space<vmem>> -> memref<1x8x128x32xf32, #tpu.memory_space<vmem>>
        %dma_wait3A_444 = tpu.memref_squeeze %dma_wait3A_443 : memref<1x8x128x32xf32, #tpu.memory_space<vmem>> -> memref<8x128x32xf32, #tpu.memory_space<vmem>>
        %dma_wait3A_445 = arith.constant 0 : i32
        %dma_wait3A_446 = arith.constant 0 : i32
        %dma_wait3A_447 = tpu.memref_slice %arg4[%add3A_263, %dma_wait3A_445, %dma_wait3A_446] : memref<6400x128x32xf32, #tpu.memory_space<hbm>> -> memref<8x128x32xf32, #tpu.memory_space<hbm>>
        %dma_wait3A_448 = arith.constant 0 : i32
        %dma_wait3A_449 = arith.constant 0 : i32
        %dma_wait3A_450 = tpu.memref_slice %arg4[%add3A_263, %dma_wait3A_448, %dma_wait3A_449] : memref<6400x128x32xf32, #tpu.memory_space<hbm>> -> memref<8x128x32xf32, #tpu.memory_space<hbm>>
        %dma_wait3A_451 = arith.constant 0 : i32
        %dma_wait3A_452 = arith.constant 0 : i32
        %dma_wait3A_453 = arith.constant 0 : i32
        %dma_wait3A_454 = tpu.memref_slice %arg6[%run_scoped3A_281, %dma_wait3A_451, %dma_wait3A_452, %dma_wait3A_453] : memref<2x8x128x32xf32, #tpu.memory_space<vmem>> -> memref<1x8x128x32xf32, #tpu.memory_space<vmem>>
        %dma_wait3A_455 = tpu.memref_squeeze %dma_wait3A_454 : memref<1x8x128x32xf32, #tpu.memory_space<vmem>> -> memref<8x128x32xf32, #tpu.memory_space<vmem>>
        tpu.wait_dma2 semaphore(%run_scoped3A_423 : memref<!tpu.dma_semaphore, #tpu.memory_space<semaphore_mem>>) src(%dma_wait3A_455 : memref<8x128x32xf32, #tpu.memory_space<vmem>>) dst(%dma_wait3A_450 : memref<8x128x32xf32, #tpu.memory_space<hbm>>)
        tpu.yield
      }) : () -> ()
      %add3A_282 = arith.constant 2 : i32
      %add3A_283 = arith.addi %mul3A_142, %add3A_282 : i32
      %mul3A_284 = arith.constant 8 : i32
      %mul3A_285 = arith.muli %add3A_283, %mul3A_284 : i32
      %add3A_286 = arith.addi %mul3A_2, %mul3A_285 : i32
      %run_scoped3A_287 = arith.constant 0 : i32
      "tpu.region"() ({
        %run_scoped3A_423 = tpu.sem_alloc : memref<!tpu.dma_semaphore, #tpu.memory_space<semaphore_mem>>
        %dma_start3A_424 = arith.constant 0 : i32
        %dma_start3A_425 = arith.constant 0 : i32
        %dma_start3A_426 = tpu.memref_slice %arg5[%run_scoped3A_287, %dma_start3A_424, %dma_start3A_425] : memref<2x8x128xi32, #tpu.memory_space<vmem>> -> memref<1x8x128xi32, #tpu.memory_space<vmem>>
        %dma_start3A_427 = tpu.memref_squeeze %dma_start3A_426 : memref<1x8x128xi32, #tpu.memory_space<vmem>> -> memref<8x128xi32, #tpu.memory_space<vmem>>
        %dma_start3A_428 = arith.constant 0 : i32
        %dma_start3A_429 = tpu.memref_slice %arg2[%add3A_286, %dma_start3A_428] : memref<6400x128xi32, #tpu.memory_space<hbm>> -> memref<8x128xi32, #tpu.memory_space<hbm>>
        %dma_start3A_430 = arith.constant 0 : i32
        %dma_start3A_431 = arith.constant 0 : i32
        %dma_start3A_432 = tpu.memref_slice %arg5[%run_scoped3A_287, %dma_start3A_430, %dma_start3A_431] : memref<2x8x128xi32, #tpu.memory_space<vmem>> -> memref<1x8x128xi32, #tpu.memory_space<vmem>>
        %dma_start3A_433 = tpu.memref_squeeze %dma_start3A_432 : memref<1x8x128xi32, #tpu.memory_space<vmem>> -> memref<8x128xi32, #tpu.memory_space<vmem>>
        %dma_start3A_434 = arith.constant 0 : i32
        %dma_start3A_435 = tpu.memref_slice %arg2[%add3A_286, %dma_start3A_434] : memref<6400x128xi32, #tpu.memory_space<hbm>> -> memref<8x128xi32, #tpu.memory_space<hbm>>
        tpu.enqueue_dma source(%dma_start3A_435 : memref<8x128xi32, #tpu.memory_space<hbm>>) target(%dma_start3A_433 : memref<8x128xi32, #tpu.memory_space<vmem>>) target_semaphore(%run_scoped3A_423 : memref<!tpu.dma_semaphore, #tpu.memory_space<semaphore_mem>>)
        %dma_wait3A_436 = arith.constant 0 : i32
        %dma_wait3A_437 = arith.constant 0 : i32
        %dma_wait3A_438 = tpu.memref_slice %arg5[%run_scoped3A_287, %dma_wait3A_436, %dma_wait3A_437] : memref<2x8x128xi32, #tpu.memory_space<vmem>> -> memref<1x8x128xi32, #tpu.memory_space<vmem>>
        %dma_wait3A_439 = tpu.memref_squeeze %dma_wait3A_438 : memref<1x8x128xi32, #tpu.memory_space<vmem>> -> memref<8x128xi32, #tpu.memory_space<vmem>>
        %dma_wait3A_440 = arith.constant 0 : i32
        %dma_wait3A_441 = tpu.memref_slice %arg2[%add3A_286, %dma_wait3A_440] : memref<6400x128xi32, #tpu.memory_space<hbm>> -> memref<8x128xi32, #tpu.memory_space<hbm>>
        %dma_wait3A_442 = arith.constant 0 : i32
        %dma_wait3A_443 = arith.constant 0 : i32
        %dma_wait3A_444 = tpu.memref_slice %arg5[%run_scoped3A_287, %dma_wait3A_442, %dma_wait3A_443] : memref<2x8x128xi32, #tpu.memory_space<vmem>> -> memref<1x8x128xi32, #tpu.memory_space<vmem>>
        %dma_wait3A_445 = tpu.memref_squeeze %dma_wait3A_444 : memref<1x8x128xi32, #tpu.memory_space<vmem>> -> memref<8x128xi32, #tpu.memory_space<vmem>>
        %dma_wait3A_446 = arith.constant 0 : i32
        %dma_wait3A_447 = tpu.memref_slice %arg2[%add3A_286, %dma_wait3A_446] : memref<6400x128xi32, #tpu.memory_space<hbm>> -> memref<8x128xi32, #tpu.memory_space<hbm>>
        tpu.wait_dma2 semaphore(%run_scoped3A_423 : memref<!tpu.dma_semaphore, #tpu.memory_space<semaphore_mem>>) src(%dma_wait3A_447 : memref<8x128xi32, #tpu.memory_space<hbm>>) dst(%dma_wait3A_445 : memref<8x128xi32, #tpu.memory_space<vmem>>)
        tpu.yield
      }) : () -> ()
      %dma_start3A_288 = arith.constant 0 : i32
      %dma_start3A_289 = arith.constant 0 : i32
      %dma_start3A_290 = arith.constant 0 : i32
      %dma_start3A_291 = arith.constant 0 : i32
      %dma_start3A_292 = arith.constant 0 : i32
      %dma_start3A_293 = arith.constant 0 : i32
      %dma_start3A_294 = tpu.memref_slice %arg6[%dma_start3A_290, %dma_start3A_291, %dma_start3A_292, %dma_start3A_293] : memref<2x8x128x32xf32, #tpu.memory_space<vmem>> -> memref<1x1x128x32xf32, #tpu.memory_space<vmem>>
      %dma_start3A_295 = tpu.memref_squeeze %dma_start3A_294 : memref<1x1x128x32xf32, #tpu.memory_space<vmem>> -> memref<128x32xf32, #tpu.memory_space<vmem>>
      %dma_start3A_296 = arith.constant 0 : i32
      %dma_start3A_297 = tpu.memref_slice %arg5[%dma_start3A_288, %dma_start3A_289, %dma_start3A_296] : memref<2x8x128xi32, #tpu.memory_space<vmem>> -> memref<1x1x128xi32, #tpu.memory_space<vmem>>
      %dma_start3A_298 = tpu.memref_squeeze %dma_start3A_297 : memref<1x1x128xi32, #tpu.memory_space<vmem>> -> memref<128xi32, #tpu.memory_space<vmem>>
      %dma_start3A_299 = arith.constant 0 : i32
      %dma_start3A_300 = arith.constant 0 : i32
      %dma_start3A_301 = tpu.memref_slice %arg3[%dma_start3A_299, %dma_start3A_300] : memref<1000000x32xf32, #tpu.memory_space<hbm>> -> memref<1000000x32xf32, #tpu.memory_space<hbm>>
      tpu.enqueue_indirect_dma source(%dma_start3A_301 : memref<1000000x32xf32, #tpu.memory_space<hbm>>) target(%dma_start3A_295 : memref<128x32xf32, #tpu.memory_space<vmem>>) offsets(%dma_start3A_298 : memref<128xi32, #tpu.memory_space<vmem>>) semaphore(%arg7 : memref<!tpu.dma_semaphore, #tpu.memory_space<semaphore_mem>>)
      %dma_start3A_302 = arith.constant 0 : i32
      %dma_start3A_303 = arith.constant 1 : i32
      %dma_start3A_304 = arith.constant 0 : i32
      %dma_start3A_305 = arith.constant 1 : i32
      %dma_start3A_306 = arith.constant 0 : i32
      %dma_start3A_307 = arith.constant 0 : i32
      %dma_start3A_308 = tpu.memref_slice %arg6[%dma_start3A_304, %dma_start3A_305, %dma_start3A_306, %dma_start3A_307] : memref<2x8x128x32xf32, #tpu.memory_space<vmem>> -> memref<1x1x128x32xf32, #tpu.memory_space<vmem>>
      %dma_start3A_309 = tpu.memref_squeeze %dma_start3A_308 : memref<1x1x128x32xf32, #tpu.memory_space<vmem>> -> memref<128x32xf32, #tpu.memory_space<vmem>>
      %dma_start3A_310 = arith.constant 0 : i32
      %dma_start3A_311 = tpu.memref_slice %arg5[%dma_start3A_302, %dma_start3A_303, %dma_start3A_310] : memref<2x8x128xi32, #tpu.memory_space<vmem>> -> memref<1x1x128xi32, #tpu.memory_space<vmem>>
      %dma_start3A_312 = tpu.memref_squeeze %dma_start3A_311 : memref<1x1x128xi32, #tpu.memory_space<vmem>> -> memref<128xi32, #tpu.memory_space<vmem>>
      %dma_start3A_313 = arith.constant 0 : i32
      %dma_start3A_314 = arith.constant 0 : i32
      %dma_start3A_315 = tpu.memref_slice %arg3[%dma_start3A_313, %dma_start3A_314] : memref<1000000x32xf32, #tpu.memory_space<hbm>> -> memref<1000000x32xf32, #tpu.memory_space<hbm>>
      tpu.enqueue_indirect_dma source(%dma_start3A_315 : memref<1000000x32xf32, #tpu.memory_space<hbm>>) target(%dma_start3A_309 : memref<128x32xf32, #tpu.memory_space<vmem>>) offsets(%dma_start3A_312 : memref<128xi32, #tpu.memory_space<vmem>>) semaphore(%arg7 : memref<!tpu.dma_semaphore, #tpu.memory_space<semaphore_mem>>)
      %dma_start3A_316 = arith.constant 0 : i32
      %dma_start3A_317 = arith.constant 2 : i32
      %dma_start3A_318 = arith.constant 0 : i32
      %dma_start3A_319 = arith.constant 2 : i32
      %dma_start3A_320 = arith.constant 0 : i32
      %dma_start3A_321 = arith.constant 0 : i32
      %dma_start3A_322 = tpu.memref_slice %arg6[%dma_start3A_318, %dma_start3A_319, %dma_start3A_320, %dma_start3A_321] : memref<2x8x128x32xf32, #tpu.memory_space<vmem>> -> memref<1x1x128x32xf32, #tpu.memory_space<vmem>>
      %dma_start3A_323 = tpu.memref_squeeze %dma_start3A_322 : memref<1x1x128x32xf32, #tpu.memory_space<vmem>> -> memref<128x32xf32, #tpu.memory_space<vmem>>
      %dma_start3A_324 = arith.constant 0 : i32
      %dma_start3A_325 = tpu.memref_slice %arg5[%dma_start3A_316, %dma_start3A_317, %dma_start3A_324] : memref<2x8x128xi32, #tpu.memory_space<vmem>> -> memref<1x1x128xi32, #tpu.memory_space<vmem>>
      %dma_start3A_326 = tpu.memref_squeeze %dma_start3A_325 : memref<1x1x128xi32, #tpu.memory_space<vmem>> -> memref<128xi32, #tpu.memory_space<vmem>>
      %dma_start3A_327 = arith.constant 0 : i32
      %dma_start3A_328 = arith.constant 0 : i32
      %dma_start3A_329 = tpu.memref_slice %arg3[%dma_start3A_327, %dma_start3A_328] : memref<1000000x32xf32, #tpu.memory_space<hbm>> -> memref<1000000x32xf32, #tpu.memory_space<hbm>>
      tpu.enqueue_indirect_dma source(%dma_start3A_329 : memref<1000000x32xf32, #tpu.memory_space<hbm>>) target(%dma_start3A_323 : memref<128x32xf32, #tpu.memory_space<vmem>>) offsets(%dma_start3A_326 : memref<128xi32, #tpu.memory_space<vmem>>) semaphore(%arg7 : memref<!tpu.dma_semaphore, #tpu.memory_space<semaphore_mem>>)
      %dma_start3A_330 = arith.constant 0 : i32
      %dma_start3A_331 = arith.constant 3 : i32
      %dma_start3A_332 = arith.constant 0 : i32
      %dma_start3A_333 = arith.constant 3 : i32
      %dma_start3A_334 = arith.constant 0 : i32
      %dma_start3A_335 = arith.constant 0 : i32
      %dma_start3A_336 = tpu.memref_slice %arg6[%dma_start3A_332, %dma_start3A_333, %dma_start3A_334, %dma_start3A_335] : memref<2x8x128x32xf32, #tpu.memory_space<vmem>> -> memref<1x1x128x32xf32, #tpu.memory_space<vmem>>
      %dma_start3A_337 = tpu.memref_squeeze %dma_start3A_336 : memref<1x1x128x32xf32, #tpu.memory_space<vmem>> -> memref<128x32xf32, #tpu.memory_space<vmem>>
      %dma_start3A_338 = arith.constant 0 : i32
      %dma_start3A_339 = tpu.memref_slice %arg5[%dma_start3A_330, %dma_start3A_331, %dma_start3A_338] : memref<2x8x128xi32, #tpu.memory_space<vmem>> -> memref<1x1x128xi32, #tpu.memory_space<vmem>>
      %dma_start3A_340 = tpu.memref_squeeze %dma_start3A_339 : memref<1x1x128xi32, #tpu.memory_space<vmem>> -> memref<128xi32, #tpu.memory_space<vmem>>
      %dma_start3A_341 = arith.constant 0 : i32
      %dma_start3A_342 = arith.constant 0 : i32
      %dma_start3A_343 = tpu.memref_slice %arg3[%dma_start3A_341, %dma_start3A_342] : memref<1000000x32xf32, #tpu.memory_space<hbm>> -> memref<1000000x32xf32, #tpu.memory_space<hbm>>
      tpu.enqueue_indirect_dma source(%dma_start3A_343 : memref<1000000x32xf32, #tpu.memory_space<hbm>>) target(%dma_start3A_337 : memref<128x32xf32, #tpu.memory_space<vmem>>) offsets(%dma_start3A_340 : memref<128xi32, #tpu.memory_space<vmem>>) semaphore(%arg7 : memref<!tpu.dma_semaphore, #tpu.memory_space<semaphore_mem>>)
      %dma_start3A_344 = arith.constant 0 : i32
      %dma_start3A_345 = arith.constant 4 : i32
      %dma_start3A_346 = arith.constant 0 : i32
      %dma_start3A_347 = arith.constant 4 : i32
      %dma_start3A_348 = arith.constant 0 : i32
      %dma_start3A_349 = arith.constant 0 : i32
      %dma_start3A_350 = tpu.memref_slice %arg6[%dma_start3A_346, %dma_start3A_347, %dma_start3A_348, %dma_start3A_349] : memref<2x8x128x32xf32, #tpu.memory_space<vmem>> -> memref<1x1x128x32xf32, #tpu.memory_space<vmem>>
      %dma_start3A_351 = tpu.memref_squeeze %dma_start3A_350 : memref<1x1x128x32xf32, #tpu.memory_space<vmem>> -> memref<128x32xf32, #tpu.memory_space<vmem>>
      %dma_start3A_352 = arith.constant 0 : i32
      %dma_start3A_353 = tpu.memref_slice %arg5[%dma_start3A_344, %dma_start3A_345, %dma_start3A_352] : memref<2x8x128xi32, #tpu.memory_space<vmem>> -> memref<1x1x128xi32, #tpu.memory_space<vmem>>
      %dma_start3A_354 = tpu.memref_squeeze %dma_start3A_353 : memref<1x1x128xi32, #tpu.memory_space<vmem>> -> memref<128xi32, #tpu.memory_space<vmem>>
      %dma_start3A_355 = arith.constant 0 : i32
      %dma_start3A_356 = arith.constant 0 : i32
      %dma_start3A_357 = tpu.memref_slice %arg3[%dma_start3A_355, %dma_start3A_356] : memref<1000000x32xf32, #tpu.memory_space<hbm>> -> memref<1000000x32xf32, #tpu.memory_space<hbm>>
      tpu.enqueue_indirect_dma source(%dma_start3A_357 : memref<1000000x32xf32, #tpu.memory_space<hbm>>) target(%dma_start3A_351 : memref<128x32xf32, #tpu.memory_space<vmem>>) offsets(%dma_start3A_354 : memref<128xi32, #tpu.memory_space<vmem>>) semaphore(%arg7 : memref<!tpu.dma_semaphore, #tpu.memory_space<semaphore_mem>>)
      %dma_start3A_358 = arith.constant 0 : i32
      %dma_start3A_359 = arith.constant 5 : i32
      %dma_start3A_360 = arith.constant 0 : i32
      %dma_start3A_361 = arith.constant 5 : i32
      %dma_start3A_362 = arith.constant 0 : i32
      %dma_start3A_363 = arith.constant 0 : i32
      %dma_start3A_364 = tpu.memref_slice %arg6[%dma_start3A_360, %dma_start3A_361, %dma_start3A_362, %dma_start3A_363] : memref<2x8x128x32xf32, #tpu.memory_space<vmem>> -> memref<1x1x128x32xf32, #tpu.memory_space<vmem>>
      %dma_start3A_365 = tpu.memref_squeeze %dma_start3A_364 : memref<1x1x128x32xf32, #tpu.memory_space<vmem>> -> memref<128x32xf32, #tpu.memory_space<vmem>>
      %dma_start3A_366 = arith.constant 0 : i32
      %dma_start3A_367 = tpu.memref_slice %arg5[%dma_start3A_358, %dma_start3A_359, %dma_start3A_366] : memref<2x8x128xi32, #tpu.memory_space<vmem>> -> memref<1x1x128xi32, #tpu.memory_space<vmem>>
      %dma_start3A_368 = tpu.memref_squeeze %dma_start3A_367 : memref<1x1x128xi32, #tpu.memory_space<vmem>> -> memref<128xi32, #tpu.memory_space<vmem>>
      %dma_start3A_369 = arith.constant 0 : i32
      %dma_start3A_370 = arith.constant 0 : i32
      %dma_start3A_371 = tpu.memref_slice %arg3[%dma_start3A_369, %dma_start3A_370] : memref<1000000x32xf32, #tpu.memory_space<hbm>> -> memref<1000000x32xf32, #tpu.memory_space<hbm>>
      tpu.enqueue_indirect_dma source(%dma_start3A_371 : memref<1000000x32xf32, #tpu.memory_space<hbm>>) target(%dma_start3A_365 : memref<128x32xf32, #tpu.memory_space<vmem>>) offsets(%dma_start3A_368 : memref<128xi32, #tpu.memory_space<vmem>>) semaphore(%arg7 : memref<!tpu.dma_semaphore, #tpu.memory_space<semaphore_mem>>)
      %dma_start3A_372 = arith.constant 0 : i32
      %dma_start3A_373 = arith.constant 6 : i32
      %dma_start3A_374 = arith.constant 0 : i32
      %dma_start3A_375 = arith.constant 6 : i32
      %dma_start3A_376 = arith.constant 0 : i32
      %dma_start3A_377 = arith.constant 0 : i32
      %dma_start3A_378 = tpu.memref_slice %arg6[%dma_start3A_374, %dma_start3A_375, %dma_start3A_376, %dma_start3A_377] : memref<2x8x128x32xf32, #tpu.memory_space<vmem>> -> memref<1x1x128x32xf32, #tpu.memory_space<vmem>>
      %dma_start3A_379 = tpu.memref_squeeze %dma_start3A_378 : memref<1x1x128x32xf32, #tpu.memory_space<vmem>> -> memref<128x32xf32, #tpu.memory_space<vmem>>
      %dma_start3A_380 = arith.constant 0 : i32
      %dma_start3A_381 = tpu.memref_slice %arg5[%dma_start3A_372, %dma_start3A_373, %dma_start3A_380] : memref<2x8x128xi32, #tpu.memory_space<vmem>> -> memref<1x1x128xi32, #tpu.memory_space<vmem>>
      %dma_start3A_382 = tpu.memref_squeeze %dma_start3A_381 : memref<1x1x128xi32, #tpu.memory_space<vmem>> -> memref<128xi32, #tpu.memory_space<vmem>>
      %dma_start3A_383 = arith.constant 0 : i32
      %dma_start3A_384 = arith.constant 0 : i32
      %dma_start3A_385 = tpu.memref_slice %arg3[%dma_start3A_383, %dma_start3A_384] : memref<1000000x32xf32, #tpu.memory_space<hbm>> -> memref<1000000x32xf32, #tpu.memory_space<hbm>>
      tpu.enqueue_indirect_dma source(%dma_start3A_385 : memref<1000000x32xf32, #tpu.memory_space<hbm>>) target(%dma_start3A_379 : memref<128x32xf32, #tpu.memory_space<vmem>>) offsets(%dma_start3A_382 : memref<128xi32, #tpu.memory_space<vmem>>) semaphore(%arg7 : memref<!tpu.dma_semaphore, #tpu.memory_space<semaphore_mem>>)
      %dma_start3A_386 = arith.constant 0 : i32
      %dma_start3A_387 = arith.constant 7 : i32
      %dma_start3A_388 = arith.constant 0 : i32
      %dma_start3A_389 = arith.constant 7 : i32
      %dma_start3A_390 = arith.constant 0 : i32
      %dma_start3A_391 = arith.constant 0 : i32
      %dma_start3A_392 = tpu.memref_slice %arg6[%dma_start3A_388, %dma_start3A_389, %dma_start3A_390, %dma_start3A_391] : memref<2x8x128x32xf32, #tpu.memory_space<vmem>> -> memref<1x1x128x32xf32, #tpu.memory_space<vmem>>
      %dma_start3A_393 = tpu.memref_squeeze %dma_start3A_392 : memref<1x1x128x32xf32, #tpu.memory_space<vmem>> -> memref<128x32xf32, #tpu.memory_space<vmem>>
      %dma_start3A_394 = arith.constant 0 : i32
      %dma_start3A_395 = tpu.memref_slice %arg5[%dma_start3A_386, %dma_start3A_387, %dma_start3A_394] : memref<2x8x128xi32, #tpu.memory_space<vmem>> -> memref<1x1x128xi32, #tpu.memory_space<vmem>>
      %dma_start3A_396 = tpu.memref_squeeze %dma_start3A_395 : memref<1x1x128xi32, #tpu.memory_space<vmem>> -> memref<128xi32, #tpu.memory_space<vmem>>
      %dma_start3A_397 = arith.constant 0 : i32
      %dma_start3A_398 = arith.constant 0 : i32
      %dma_start3A_399 = tpu.memref_slice %arg3[%dma_start3A_397, %dma_start3A_398] : memref<1000000x32xf32, #tpu.memory_space<hbm>> -> memref<1000000x32xf32, #tpu.memory_space<hbm>>
      tpu.enqueue_indirect_dma source(%dma_start3A_399 : memref<1000000x32xf32, #tpu.memory_space<hbm>>) target(%dma_start3A_393 : memref<128x32xf32, #tpu.memory_space<vmem>>) offsets(%dma_start3A_396 : memref<128xi32, #tpu.memory_space<vmem>>) semaphore(%arg7 : memref<!tpu.dma_semaphore, #tpu.memory_space<semaphore_mem>>)
      %add3A_400 = arith.constant 1 : i32
      %add3A_401 = arith.addi %mul3A_142, %add3A_400 : i32
      %mul3A_402 = arith.constant 8 : i32
      %mul3A_403 = arith.muli %add3A_401, %mul3A_402 : i32
      %add3A_404 = arith.addi %mul3A_2, %mul3A_403 : i32
      %dma_wait3A_405 = arith.constant 1 : i32
      %dma_wait3A_406 = arith.constant 0 : i32
      %dma_wait3A_407 = arith.constant 0 : i32
      %dma_wait3A_408 = arith.constant 0 : i32
      %dma_wait3A_409 = tpu.memref_slice %arg6[%dma_wait3A_405, %dma_wait3A_406, %dma_wait3A_407, %dma_wait3A_408] : memref<2x8x128x32xf32, #tpu.memory_space<vmem>> -> memref<1x8x128x32xf32, #tpu.memory_space<vmem>>
      %dma_wait3A_410 = tpu.memref_squeeze %dma_wait3A_409 : memref<1x8x128x32xf32, #tpu.memory_space<vmem>> -> memref<8x128x32xf32, #tpu.memory_space<vmem>>
      %dma_wait3A_411 = arith.constant 0 : i32
      %dma_wait3A_412 = arith.constant 0 : i32
      %dma_wait3A_413 = tpu.memref_slice %arg4[%add3A_404, %dma_wait3A_411, %dma_wait3A_412] : memref<6400x128x32xf32, #tpu.memory_space<hbm>> -> memref<8x128x32xf32, #tpu.memory_space<hbm>>
      %dma_wait3A_414 = arith.constant 0 : i32
      %dma_wait3A_415 = arith.constant 0 : i32
      %dma_wait3A_416 = arith.constant 0 : i32
      %dma_wait3A_417 = tpu.memref_slice %arg6[%dma_wait3A_405, %dma_wait3A_414, %dma_wait3A_415, %dma_wait3A_416] : memref<2x8x128x32xf32, #tpu.memory_space<vmem>> -> memref<1x8x128x32xf32, #tpu.memory_space<vmem>>
      %dma_wait3A_418 = tpu.memref_squeeze %dma_wait3A_417 : memref<1x8x128x32xf32, #tpu.memory_space<vmem>> -> memref<8x128x32xf32, #tpu.memory_space<vmem>>
      %dma_wait3A_419 = arith.constant 0 : i32
      %dma_wait3A_420 = arith.constant 0 : i32
      %dma_wait3A_421 = tpu.memref_slice %arg4[%add3A_404, %dma_wait3A_419, %dma_wait3A_420] : memref<6400x128x32xf32, #tpu.memory_space<hbm>> -> memref<8x128x32xf32, #tpu.memory_space<hbm>>
      tpu.wait_dma2 semaphore(%arg8 : memref<!tpu.dma_semaphore, #tpu.memory_space<semaphore_mem>>) src(%dma_wait3A_421 : memref<8x128x32xf32, #tpu.memory_space<hbm>>) dst(%dma_wait3A_418 : memref<8x128x32xf32, #tpu.memory_space<vmem>>)
      %run_scoped3A_422 = arith.constant 1 : i32
      "tpu.region"() ({
        %run_scoped3A_423 = tpu.sem_alloc : memref<!tpu.dma_semaphore, #tpu.memory_space<semaphore_mem>>
        %dma_start3A_424 = arith.constant 0 : i32
        %dma_start3A_425 = arith.constant 0 : i32
        %dma_start3A_426 = arith.constant 0 : i32
        %dma_start3A_427 = tpu.memref_slice %arg6[%run_scoped3A_422, %dma_start3A_424, %dma_start3A_425, %dma_start3A_426] : memref<2x8x128x32xf32, #tpu.memory_space<vmem>> -> memref<1x8x128x32xf32, #tpu.memory_space<vmem>>
        %dma_start3A_428 = tpu.memref_squeeze %dma_start3A_427 : memref<1x8x128x32xf32, #tpu.memory_space<vmem>> -> memref<8x128x32xf32, #tpu.memory_space<vmem>>
        %dma_start3A_429 = arith.constant 0 : i32
        %dma_start3A_430 = arith.constant 0 : i32
        %dma_start3A_431 = tpu.memref_slice %arg4[%add3A_404, %dma_start3A_429, %dma_start3A_430] : memref<6400x128x32xf32, #tpu.memory_space<hbm>> -> memref<8x128x32xf32, #tpu.memory_space<hbm>>
        %dma_start3A_432 = arith.constant 0 : i32
        %dma_start3A_433 = arith.constant 0 : i32
        %dma_start3A_434 = tpu.memref_slice %arg4[%add3A_404, %dma_start3A_432, %dma_start3A_433] : memref<6400x128x32xf32, #tpu.memory_space<hbm>> -> memref<8x128x32xf32, #tpu.memory_space<hbm>>
        %dma_start3A_435 = arith.constant 0 : i32
        %dma_start3A_436 = arith.constant 0 : i32
        %dma_start3A_437 = arith.constant 0 : i32
        %dma_start3A_438 = tpu.memref_slice %arg6[%run_scoped3A_422, %dma_start3A_435, %dma_start3A_436, %dma_start3A_437] : memref<2x8x128x32xf32, #tpu.memory_space<vmem>> -> memref<1x8x128x32xf32, #tpu.memory_space<vmem>>
        %dma_start3A_439 = tpu.memref_squeeze %dma_start3A_438 : memref<1x8x128x32xf32, #tpu.memory_space<vmem>> -> memref<8x128x32xf32, #tpu.memory_space<vmem>>
        tpu.enqueue_dma source(%dma_start3A_439 : memref<8x128x32xf32, #tpu.memory_space<vmem>>) target(%dma_start3A_434 : memref<8x128x32xf32, #tpu.memory_space<hbm>>) target_semaphore(%run_scoped3A_423 : memref<!tpu.dma_semaphore, #tpu.memory_space<semaphore_mem>>)
        %dma_wait3A_440 = arith.constant 0 : i32
        %dma_wait3A_441 = arith.constant 0 : i32
        %dma_wait3A_442 = arith.constant 0 : i32
        %dma_wait3A_443 = tpu.memref_slice %arg6[%run_scoped3A_422, %dma_wait3A_440, %dma_wait3A_441, %dma_wait3A_442] : memref<2x8x128x32xf32, #tpu.memory_space<vmem>> -> memref<1x8x128x32xf32, #tpu.memory_space<vmem>>
        %dma_wait3A_444 = tpu.memref_squeeze %dma_wait3A_443 : memref<1x8x128x32xf32, #tpu.memory_space<vmem>> -> memref<8x128x32xf32, #tpu.memory_space<vmem>>
        %dma_wait3A_445 = arith.constant 0 : i32
        %dma_wait3A_446 = arith.constant 0 : i32
        %dma_wait3A_447 = tpu.memref_slice %arg4[%add3A_404, %dma_wait3A_445, %dma_wait3A_446] : memref<6400x128x32xf32, #tpu.memory_space<hbm>> -> memref<8x128x32xf32, #tpu.memory_space<hbm>>
        %dma_wait3A_448 = arith.constant 0 : i32
        %dma_wait3A_449 = arith.constant 0 : i32
        %dma_wait3A_450 = tpu.memref_slice %arg4[%add3A_404, %dma_wait3A_448, %dma_wait3A_449] : memref<6400x128x32xf32, #tpu.memory_space<hbm>> -> memref<8x128x32xf32, #tpu.memory_space<hbm>>
        %dma_wait3A_451 = arith.constant 0 : i32
        %dma_wait3A_452 = arith.constant 0 : i32
        %dma_wait3A_453 = arith.constant 0 : i32
        %dma_wait3A_454 = tpu.memref_slice %arg6[%run_scoped3A_422, %dma_wait3A_451, %dma_wait3A_452, %dma_wait3A_453] : memref<2x8x128x32xf32, #tpu.memory_space<vmem>> -> memref<1x8x128x32xf32, #tpu.memory_space<vmem>>
        %dma_wait3A_455 = tpu.memref_squeeze %dma_wait3A_454 : memref<1x8x128x32xf32, #tpu.memory_space<vmem>> -> memref<8x128x32xf32, #tpu.memory_space<vmem>>
        tpu.wait_dma2 semaphore(%run_scoped3A_423 : memref<!tpu.dma_semaphore, #tpu.memory_space<semaphore_mem>>) src(%dma_wait3A_455 : memref<8x128x32xf32, #tpu.memory_space<vmem>>) dst(%dma_wait3A_450 : memref<8x128x32xf32, #tpu.memory_space<hbm>>)
        tpu.yield
      }) : () -> ()
    }
    %scan3A_120 = arith.constant 12 : i32
    %add3A_121 = arith.constant 192 : i32
    %add3A_122 = arith.addi %mul3A_2, %add3A_121 : i32
    %dma_wait3A = arith.constant 0 : i32
    %dma_wait3A_123 = arith.constant 0 : i32
    %dma_wait3A_124 = arith.constant 0 : i32
    %dma_wait3A_125 = arith.constant 0 : i32
    %dma_wait3A_126 = tpu.memref_slice %arg6[%dma_wait3A, %dma_wait3A_123, %dma_wait3A_124, %dma_wait3A_125] : memref<2x8x128x32xf32, #tpu.memory_space<vmem>> -> memref<1x8x128x32xf32, #tpu.memory_space<vmem>>
    %dma_wait3A_127 = tpu.memref_squeeze %dma_wait3A_126 : memref<1x8x128x32xf32, #tpu.memory_space<vmem>> -> memref<8x128x32xf32, #tpu.memory_space<vmem>>
    %dma_wait3A_128 = arith.constant 0 : i32
    %dma_wait3A_129 = arith.constant 0 : i32
    %dma_wait3A_130 = tpu.memref_slice %arg4[%add3A_122, %dma_wait3A_128, %dma_wait3A_129] : memref<6400x128x32xf32, #tpu.memory_space<hbm>> -> memref<8x128x32xf32, #tpu.memory_space<hbm>>
    %dma_wait3A_131 = arith.constant 0 : i32
    %dma_wait3A_132 = arith.constant 0 : i32
    %dma_wait3A_133 = arith.constant 0 : i32
    %dma_wait3A_134 = tpu.memref_slice %arg6[%dma_wait3A, %dma_wait3A_131, %dma_wait3A_132, %dma_wait3A_133] : memref<2x8x128x32xf32, #tpu.memory_space<vmem>> -> memref<1x8x128x32xf32, #tpu.memory_space<vmem>>
    %dma_wait3A_135 = tpu.memref_squeeze %dma_wait3A_134 : memref<1x8x128x32xf32, #tpu.memory_space<vmem>> -> memref<8x128x32xf32, #tpu.memory_space<vmem>>
    %dma_wait3A_136 = arith.constant 0 : i32
    %dma_wait3A_137 = arith.constant 0 : i32
    %dma_wait3A_138 = tpu.memref_slice %arg4[%add3A_122, %dma_wait3A_136, %dma_wait3A_137] : memref<6400x128x32xf32, #tpu.memory_space<hbm>> -> memref<8x128x32xf32, #tpu.memory_space<hbm>>
    tpu.wait_dma2 semaphore(%arg7 : memref<!tpu.dma_semaphore, #tpu.memory_space<semaphore_mem>>) src(%dma_wait3A_138 : memref<8x128x32xf32, #tpu.memory_space<hbm>>) dst(%dma_wait3A_135 : memref<8x128x32xf32, #tpu.memory_space<vmem>>)
    %run_scoped3A_139 = arith.constant 0 : i32
    "tpu.region"() ({
      %run_scoped3A_140 = tpu.sem_alloc : memref<!tpu.dma_semaphore, #tpu.memory_space<semaphore_mem>>
      %dma_start3A_141 = arith.constant 0 : i32
      %dma_start3A_142 = arith.constant 0 : i32
      %dma_start3A_143 = arith.constant 0 : i32
      %dma_start3A_144 = tpu.memref_slice %arg6[%run_scoped3A_139, %dma_start3A_141, %dma_start3A_142, %dma_start3A_143] : memref<2x8x128x32xf32, #tpu.memory_space<vmem>> -> memref<1x8x128x32xf32, #tpu.memory_space<vmem>>
      %dma_start3A_145 = tpu.memref_squeeze %dma_start3A_144 : memref<1x8x128x32xf32, #tpu.memory_space<vmem>> -> memref<8x128x32xf32, #tpu.memory_space<vmem>>
      %dma_start3A_146 = arith.constant 0 : i32
      %dma_start3A_147 = arith.constant 0 : i32
      %dma_start3A_148 = tpu.memref_slice %arg4[%add3A_122, %dma_start3A_146, %dma_start3A_147] : memref<6400x128x32xf32, #tpu.memory_space<hbm>> -> memref<8x128x32xf32, #tpu.memory_space<hbm>>
      %dma_start3A_149 = arith.constant 0 : i32
      %dma_start3A_150 = arith.constant 0 : i32
      %dma_start3A_151 = tpu.memref_slice %arg4[%add3A_122, %dma_start3A_149, %dma_start3A_150] : memref<6400x128x32xf32, #tpu.memory_space<hbm>> -> memref<8x128x32xf32, #tpu.memory_space<hbm>>
      %dma_start3A_152 = arith.constant 0 : i32
      %dma_start3A_153 = arith.constant 0 : i32
      %dma_start3A_154 = arith.constant 0 : i32
      %dma_start3A_155 = tpu.memref_slice %arg6[%run_scoped3A_139, %dma_start3A_152, %dma_start3A_153, %dma_start3A_154] : memref<2x8x128x32xf32, #tpu.memory_space<vmem>> -> memref<1x8x128x32xf32, #tpu.memory_space<vmem>>
      %dma_start3A_156 = tpu.memref_squeeze %dma_start3A_155 : memref<1x8x128x32xf32, #tpu.memory_space<vmem>> -> memref<8x128x32xf32, #tpu.memory_space<vmem>>
      tpu.enqueue_dma source(%dma_start3A_156 : memref<8x128x32xf32, #tpu.memory_space<vmem>>) target(%dma_start3A_151 : memref<8x128x32xf32, #tpu.memory_space<hbm>>) target_semaphore(%run_scoped3A_140 : memref<!tpu.dma_semaphore, #tpu.memory_space<semaphore_mem>>)
      %dma_wait3A_157 = arith.constant 0 : i32
      %dma_wait3A_158 = arith.constant 0 : i32
      %dma_wait3A_159 = arith.constant 0 : i32
      %dma_wait3A_160 = tpu.memref_slice %arg6[%run_scoped3A_139, %dma_wait3A_157, %dma_wait3A_158, %dma_wait3A_159] : memref<2x8x128x32xf32, #tpu.memory_space<vmem>> -> memref<1x8x128x32xf32, #tpu.memory_space<vmem>>
      %dma_wait3A_161 = tpu.memref_squeeze %dma_wait3A_160 : memref<1x8x128x32xf32, #tpu.memory_space<vmem>> -> memref<8x128x32xf32, #tpu.memory_space<vmem>>
      %dma_wait3A_162 = arith.constant 0 : i32
      %dma_wait3A_163 = arith.constant 0 : i32
      %dma_wait3A_164 = tpu.memref_slice %arg4[%add3A_122, %dma_wait3A_162, %dma_wait3A_163] : memref<6400x128x32xf32, #tpu.memory_space<hbm>> -> memref<8x128x32xf32, #tpu.memory_space<hbm>>
      %dma_wait3A_165 = arith.constant 0 : i32
      %dma_wait3A_166 = arith.constant 0 : i32
      %dma_wait3A_167 = tpu.memref_slice %arg4[%add3A_122, %dma_wait3A_165, %dma_wait3A_166] : memref<6400x128x32xf32, #tpu.memory_space<hbm>> -> memref<8x128x32xf32, #tpu.memory_space<hbm>>
      %dma_wait3A_168 = arith.constant 0 : i32
      %dma_wait3A_169 = arith.constant 0 : i32
      %dma_wait3A_170 = arith.constant 0 : i32
      %dma_wait3A_171 = tpu.memref_slice %arg6[%run_scoped3A_139, %dma_wait3A_168, %dma_wait3A_169, %dma_wait3A_170] : memref<2x8x128x32xf32, #tpu.memory_space<vmem>> -> memref<1x8x128x32xf32, #tpu.memory_space<vmem>>
      %dma_wait3A_172 = tpu.memref_squeeze %dma_wait3A_171 : memref<1x8x128x32xf32, #tpu.memory_space<vmem>> -> memref<8x128x32xf32, #tpu.memory_space<vmem>>
      tpu.wait_dma2 semaphore(%run_scoped3A_140 : memref<!tpu.dma_semaphore, #tpu.memory_space<semaphore_mem>>) src(%dma_wait3A_172 : memref<8x128x32xf32, #tpu.memory_space<vmem>>) dst(%dma_wait3A_167 : memref<8x128x32xf32, #tpu.memory_space<hbm>>)
      tpu.yield
    }) : () -> ()
    return
  }
}

</mosaic_0001>

<sc_bundles>
// kernel: kernel.3.cloned.1.call-start
scs
__scs_entry_jumppad:
0x0: {  	(pc) =	sbr.rel $0x88, $3  }
0x1: {  	(tag) =	ssettag $0x0;
	lr =	simm.s32 $0x1  }
0x2: {  	[smem:$0x3F9F] =	sst lr;
	_ =	strace $0xD0000000  }
0x3: {  	_ = 	snop  }
0x4: {  	_ = 	snop  }
0x5: {  	_ = 	snop  }
0x6: {  	_ = 	snop  }
0x7: {  	_ = 	snop  }
__scs_overlays_trampoline_lowered:
0x8: {  	[smem:$0x3FAE] =	sst s0  }
0x9: {  	[smem:$0x3FAF] =	sst s1  }
0xa: {  	[smem:$0x3FB0] =	sst s2  }
0xb: {  	[smem:$0x3FB1] =	sst s3  }
0xc: {  	[smem:$0x3FB2] =	sst s4  }
0xd: {  	[smem:$0x3FB3] =	sst s5  }
0xe: {  	[smem:$0x3FB4] =	sst s6  }
0xf: {  	[smem:$0x3FB5] =	sst s7  }
0x10: {  	[smem:$0x3FB6] =	sst s8  }
0x11: {  	[smem:$0x3FB7] =	sst s9;
	s0 =	simm.s32 @!p0 $0x0  }
0x12: {  	s1 =	sld [smem:$0x3F9D];
	s0 =	simm.s32 @p0 $0x1  }
0x13: {  	[smem:$0x3FB8] =	sst s0;
	s0 =	simm.s32 @!p1 $0x0  }
0x14: {  	s2 =	sld [smem:$0x3F9C];
	s0 =	simm.s32 @p1 $0x1  }
0x15: {  	[smem:$0x3FB9] =	sst s0;
	s0 =	simm.s32 @!p2 $0x0  }
0x16: {  	s3 =	sld [smem:$0x3FDB];
	s0 =	simm.s32 @p2 $0x1  }
0x17: {  	s4 =	simm.s32 $0x1BF5;
	[smem:$0x3FBB] =	sst s0  }
0x18: {  	s0 =	sld [smem:$0x3F9E];
	_ =	swait.ge [sflag:s4], $0x0  }
0x19: {  	s7 =	sld [smem:$0x3F9F]  }
0x1a: {  	s8 =	sadd.s32 $0xFFFFE003, lr  }
0x1b: {  	s9 =	sadd.s32 $0xFFFFFEF7, lr;
	s5 =	simm.s32 $0xFFFFFFFF;
	p2 =	slt.u32 s8, $0xFFFFF086  }
0x1c: {  	p1 =	slt.u32 s9, $0xF7A;
	s5 =	simm.s32 @!p2 $0x0  }
0x1d: {  	s5 =	simm.s32 @p1 $0x1;
	p0 =	seq.s32 s7, s2  }
0x1e: {  	s7 =	smul.u32 @!p0 $0xF7A, s2;
	p2 =	seq.s32 @!p0 s5, $0x0  }
0x1f: {  	s9 =	smul.u32 $0xF7A, s1;
	s8 =	simm.s32 @!p0 $0x1BF5;
	p2 =	por !p2, p0  }
0x20: {  	[sflag:s8] =	ssyncset.s32 @!p0 $0xFFFFF086;
	s6 =	sadd.s32 @!p0 s3, s7;
	s7 =	simm.s32 @!p0 $0x108  }
0x21: {  	s3 =	sadd.s32 s3, s9;
	s6 =	sadd.s32 @!p0 $0x88, s6;
	s7 =	simm.s32 @p2 $0x1082  }
0x22: {  	[simem:s7], [sflag:s8] =	dma.local @!p0 [hbm:s6], $0xF7A  }
0x23: {  	s9 =	sor.u32 $0xD0000000, s2;
	s6 =	simm.s32 $0x108;
	_ =	swait.ge @!p0 [sflag:s8], $0x0  }
0x24: {  	s3 =	sadd.s32 $0x88, s3;
	s6 =	simm.s32 @!p1 $0x1082;
	[sflag:s4] =	ssyncset.s32 $0xFFFFF086  }
0x25: {  	[simem:s6], [sflag:s4] =	dma.local [hbm:s3], $0xF7A  }
0x26: {  	[smem:$0x3F9F] =	sst s1;
	(tag) =	ssettag s2;
	_ =	strace s9  }
0x27: {  	s1 =	sld [smem:$0x3FAF]  }
0x28: {  	s2 =	sld [smem:$0x3FB0]  }
0x29: {  	s4 =	sld [smem:$0x3FB2]  }
0x2a: {  	p0 =	seq.s32 s5, $0x0;
	s5 =	sld [smem:$0x3FB3]  }
0x2b: {  	s6 =	sld [smem:$0x3FB4]  }
0x2c: {  	s7 =	sld [smem:$0x3FB5]  }
0x2d: {  	s3 =	simm.s32 $0x108;
	s8 =	sld [smem:$0x3FB6]  }
0x2e: {  	s3 =	simm.s32 @!p0 $0x1082;
	s9 =	sld [smem:$0x3FB7]  }
0x2f: {  	lr =	sadd.s32 s0, s3;
	s0 =	sld [smem:$0x3FAE]  }
0x30: {  	s3 =	sld [smem:$0x3FB1]  }
0x31: {  	[smem:$0x3FBA] =	sst s10  }
0x32: {  	s10 =	sld [smem:$0x3FB8];
	_ =	sdelay $0x3  }
0x33: {  	p0 =	seq.s32 s10, $0x1;
	s10 =	sld [smem:$0x3FBA];
	_ =	sdelay $0x3  }
0x34: {  	[smem:$0x3FBA] =	sst s10  }
0x35: {  	s10 =	sld [smem:$0x3FB9];
	_ =	sdelay $0x3  }
0x36: {  	p1 =	seq.s32 s10, $0x1;
	s10 =	sld [smem:$0x3FBA];
	_ =	sdelay $0x3  }
0x37: {  	[smem:$0x3FBA] =	sst s10  }
0x38: {  	s10 =	sld [smem:$0x3FBB]  }
0x39: {  	_ = 	snop;
	(pc) =	sbr.ind lr, $3  }
0x3a: {  	_ = 	snop  }
0x3b: {  	_ = 	snop  }
0x3c: {  	p2 =	seq.s32 s10, $0x1;
	s10 =	sld [smem:$0x3FBA]  }
0x3d: {  	_ =	shalt  }
0x3e: {  	_ =	shalt  }
0x3f: {  	_ =	shalt  }
0x40: {  	_ =	shalt  }
0x41: {  	_ =	shalt  }
0x42: {  	_ =	shalt  }
0x43: {  	_ =	shalt  }
0x44: {  	_ =	shalt  }
0x45: {  	_ =	shalt  }
0x46: {  	_ =	shalt  }
0x47: {  	_ =	shalt  }
0x48: {  	_ =	shalt  }
0x49: {  	_ =	shalt  }
0x4a: {  	_ =	shalt  }
0x4b: {  	_ =	shalt  }
0x4c: {  	_ =	shalt  }
0x4d: {  	_ =	shalt  }
0x4e: {  	_ =	shalt  }
0x4f: {  	_ =	shalt  }
0x50: {  	_ =	shalt  }
0x51: {  	_ =	shalt  }
0x52: {  	_ =	shalt  }
0x53: {  	_ =	shalt  }
0x54: {  	_ =	shalt  }
0x55: {  	_ =	shalt  }
0x56: {  	_ =	shalt  }
0x57: {  	_ =	shalt  }
0x58: {  	_ =	shalt  }
0x59: {  	_ =	shalt  }
0x5a: {  	_ =	shalt  }
0x5b: {  	_ =	shalt  }
0x5c: {  	_ =	shalt  }
0x5d: {  	_ =	shalt  }
0x5e: {  	_ =	shalt  }
0x5f: {  	_ =	shalt  }
0x60: {  	_ =	shalt  }
0x61: {  	_ =	shalt  }
0x62: {  	_ =	shalt  }
0x63: {  	_ =	shalt  }
0x64: {  	_ =	shalt  }
0x65: {  	_ =	shalt  }
0x66: {  	_ =	shalt  }
0x67: {  	_ =	shalt  }
0x68: {  	_ =	shalt  }
0x69: {  	_ =	shalt  }
0x6a: {  	_ =	shalt  }
0x6b: {  	_ =	shalt  }
0x6c: {  	_ =	shalt  }
0x6d: {  	_ =	shalt  }
0x6e: {  	_ =	shalt  }
0x6f: {  	_ =	shalt  }
0x70: {  	_ =	shalt  }
0x71: {  	_ =	shalt  }
0x72: {  	_ =	shalt  }
0x73: {  	_ =	shalt  }
0x74: {  	_ =	shalt  }
0x75: {  	_ =	shalt  }
0x76: {  	_ =	shalt  }
0x77: {  	_ =	shalt  }
0x78: {  	_ =	shalt  }
0x79: {  	_ =	shalt  }
0x7a: {  	_ =	shalt  }
0x7b: {  	_ =	shalt  }
0x7c: {  	_ =	shalt  }
0x7d: {  	_ =	shalt  }
0x7e: {  	_ =	shalt  }
0x7f: {  	_ =	shalt  }
0x80: {  	_ =	shalt  }
0x81: {  	_ =	shalt  }
0x82: {  	_ =	shalt  }
0x83: {  	_ =	shalt  }
0x84: {  	_ =	shalt  }
0x85: {  	_ =	shalt  }
0x86: {  	_ =	shalt  }
0x87: {  	_ =	shalt  }
.Lfunc_end0:
.L_simem_size_0:
called_computation.1_lowered:
.L_overlay_start_0:
0x88: {  	s2 =	sld [smem:$0x3FD9]  }
0x89: {  	s3 =	sld [smem:$0x3FFE];
	_ =	sdelay $0x1  }
0x8a: {  	s1 =	srdreg.scid  }
0x8b: {  	s0 =	sand.u32 $0x1, s1  }
0x8c: {  	s17 =	sshll.u32 s0, $0xA;
	s2 =	sadd.s32 s3, s2  }
0x8d: {  	s2 =	sadd.s32 s2, s17  }
0x8e: {  	[smem:$0x3FC6] =	sst s2  }
0x8f: {  	_ = 	snop  }
0x90: {  	s2 =	sld [smem:$0x3FD0];
	(tm) =	ssettm $0x1  }
0x91: {  	s18 =	sld [smem:$0x3FFB];
	_ =	sdelay $0x3  }
0x92: {  	_ =	strace s18  }
0x93: {  	s3 =	sld [smem:$0x3FFC];
	_ =	sdelay $0x3  }
0x94: {  	_ =	strace s3  }
0x95: {  	s3 =	sld [smem:$0x3FFD];
	_ =	sdelay $0x3  }
0x96: {  	_ =	strace s3  }
0x97: {  	_ =	strace $0x8FFFFFFF  }
0x98: {  	s19 =	sld [smem:$0x3FDB];
	_ =	sdelay $0x1  }
0x99: {  	s4 =	simm.s32 $_scs_section_size  }
0x9a: {  	s5 =	simm.s32 $_size__tile_overlayer_lowered;
	s6 =	simm.s32 $_tile_overlayer_lowered  }
0x9b: {  	s22 =	simm.s32 $0x1BFF;
	s21 =	sshll.u32 s6, $0x1;
	s3 =	sadd.s32 s4, s19  }
0x9c: {  	s7 =	simm.s32 $0x0;
	s20 =	sshll.u32 s5, $0x1;
	s5 =	sadd.s32 s21, s3  }
0x9d: {  	[timem:s7], [sflag:s22] =	dma.local [hbm:s5], s20  }
0x9e: {  	_ =	swait.ge [sflag:s22], s20  }
0x9f: {  	s4 =	ssub.s32 $0x0, s20;
	[sflag:s22] =	ssyncset.done $0x0  }
0xa0: {  	[sflag:s22] =	ssyncadd.s32 s4;
	_ =	sdelay $0x1  }
0xa1: {  	s23 =	simm.s32 $0x1B8B  }
0xa2: {  	_ =	swait.ge [sflag:s23], $0x1  }
0xa3: {  	[sflag:s23] =	ssyncset.done $0x0  }
0xa4: {  	s25 =	simm.s32 $0x1B8E;
	s24 =	sld [smem:$0x3FFE];
	[sflag:s23] =	ssyncadd.s32 $0xFFFFFFFF  }
0xa5: {  	s26 =	simm.s32 $execute0_lowered;
	[smem:$0x3FD2] =	sst s25  }
0xa6: {  	s5 =	sshll.u32 s26, $0x1;
	_ =	strace $0x80000046;
	[dreg:$0x1] =	wrdreg $0xFFFFFFFF  }
0xa7: {  	s28 =	simm.s32 $_size_execute0_lowered;
	s3 =	sadd.s32 s3, s5;
	[dreg:$0x0] =	wrdreg $0x0  }
0xa8: {  	s5 =	sshll.u32 s28, $0x1;
	[dreg:$0x2] =	wrdreg s3  }
0xa9: {  	[dreg:$0x3] =	wrdreg s5  }
0xaa: {  	[dreg:$0x4] =	wrdreg $0xC0  }
0xab: {  	_ =	task [dreg:s7], $0x5FFFF  }
0xac: {  	[dreg:$0x1] =	wrdreg $0xFFFFFFFF  }
0xad: {  	[dreg:$0x0] =	wrdreg $0x60  }
0xae: {  	[dreg:$0x2] =	wrdreg s24  }
0xaf: {  	[dreg:$0x3] =	wrdreg s2  }
0xb0: {  	[dreg:$0x4] =	wrdreg $0x9  }
0xb1: {  	_ =	task.clear_ibuf [dreg:s7], $0x5FFFF;
	_ =	strace $0x90000046  }
0xb2: {  	s29 =	simm.s32 $0x9;
	_ =	strace $0x80000048  }
0xb3: {  	_ =	swait.ge [sflag:s29], $0x1  }
0xb4: {  	[sflag:s29] =	ssyncadd.s32 $0xFFFFFFFF  }
0xb5: {  	_ =	strace $0x90000048  }
0xb6: {  	_ =	sfence  }
0xb7: {  	s30 =	sld [smem:$0x0];
	_ =	sdelay $0x2  }
0xb8: {  	s31 =	sshll.u32 s1, $0xD;
	s1 =	sshrl.u32 s1, $0x2  }
0xb9: {  	s3 =	sand.u32 $0x4000, s31;
	s1 =	sadd.s32 s1, s30  }
0xba: {  	s0 =	sor.u32 s3, s0;
	s1 =	sshll.u32 s1, $0x11  }
0xbb: {  	s0 =	sor.u32 s1, s0  }
0xbc: {  	s0 =	sadd.s32 $0x8F2B, s0  }
0xbd: {  	[sflag:s0] =	ssyncadd.remote.s32 $0x1  }
0xbe: {  	_ =	sfence.sel $0xFFFF  }
0xbf: {  	[dreg:$0x0] =	wrdreg $0xFFFFFFFF;
	(pc) =	sbr.abs _section_cstart, $3  }
0xc0: {  	[dreg:$0x1] =	wrdreg $0xFFFFFFFF  }
0xc1: {  	_ =	task.clear_ibuf [dreg:s7], $0x2FFFF;
	_ =	strace $0x9FFFFFFF  }
0xc2: {  	(tm) =	ssettm $0x7FFFFFFF  }
0xc3: {  	_ =	shalt  }
tec
execute0_lowered:
.L_overlay_start_1:
0x0: {  	(tag) =	ssettag $0x1  }
0x1: {  	s0 =	rddreg [dreg:$0x0]  }
0x2: {  	s4 =	rddreg [dreg:$0x1]  }
0x3: {  	s1 =	srdreg.scid;
	s10 =	stileid.u32  }
0x4: {  	s2 =	simm.s32 $0x0;
	s15 =	simm.s32 $0x480;
	s16 =	simm.s32 $0x9800  }
0x5: {  	s17 =	simm.s32 $0x500;
	s18 =	simm.s32 $0xA800;
	s19 =	simm.s32 $0x580  }
0x6: {  	s20 =	simm.s32 $0xB800;
	s21 =	simm.s32 $0x600;
	[smem:$0x7FF] =	sst s2  }
0x7: {  	s22 =	simm.s32 $0xC800;
	_ =	strace $0x80000047;
	[dreg:$0x5] =	wrdreg s15  }
0x8: {  	s23 =	simm.s32 $0x680;
	s24 =	simm.s32 $0xD800;
	[dreg:$0x6] =	wrdreg s16  }
0x9: {  	s28 =	simm.s32 $0xF800;
	s29 =	simm.s32 $0x1;
	[dreg:$0x7] =	wrdreg s17  }
0xa: {  	s30 =	simm.s32 $0x2;
	s1 =	sand.u32 $0x1, s1;
	[dreg:$0x8] =	wrdreg s18  }
0xb: {  	s3 =	sshll.u32 s10, $0x1;
	s9 =	smul.u32 $0x190, s10;
	[dreg:$0x9] =	wrdreg s19  }
0xc: {  	s6 =	sadd.s32 $0xA00, s0;
	s10 =	smul.u32 $0x190000, s10;
	[dreg:$0xa] =	wrdreg s20  }
0xd: {  	s3 =	sor.u32 s1, s3;
	s31 =	smul.u32 $0xC8, s1;
	[dreg:$0xb] =	wrdreg s21  }
0xe: {  	s7 =	ssub.s32 $0x2, s1;
	s1 =	smul.u32 $0xC8000, s1;
	[dreg:$0xc] =	wrdreg s22  }
0xf: {  	s17 =	simm.s32 $0x200;
	s18 =	simm.s32 $0x4800;
	[dreg:$0xd] =	wrdreg s23  }
0x10: {  	s19 =	simm.s32 $0x280;
	s20 =	simm.s32 $0x5800;
	[dreg:$0xe] =	wrdreg s24  }
0x11: {  	s21 =	simm.s32 $0x300;
	s22 =	simm.s32 $0x6800;
	s23 =	simm.s32 $0x380  }
0x12: {  	s24 =	simm.s32 $0x7800;
	s5 =	smul.u32 $0xC80, s3;
	s25 =	sshrl.u32 s7, $0x1  }
0x13: {  	s8 =	smul.u32 $0xC8000, s3;
	s3 =	sadd.s32 $0xF42E00, s0;
	s0 =	ssub.s32 s7, s25  }
0x14: {  	s11 =	sadd.s32 s31, s9;
	s1 =	sadd.s32 s1, s10;
	s9 =	simm.s32 $0x3  }
0x15: {  	s10 =	simm.s32 $0x80;
	s25 =	simm.s32 $0x700;
	s31 =	simm.s32 $0x780  }
0x16: {  	s26 =	sshrl.u32 s8, $0x3;
	s5 =	sadd.s32 s6, s5;
	[dreg:$0xf] =	wrdreg s25  }
0x17: {  	s0 =	smax.u32 s0, $0x1;
	s12 =	sshll.u32 s11, $0x4;
	[dreg:$0x11] =	wrdreg s31  }
0x18: {  	s1 =	sshrl.u32 s1, $0x3;
	s25 =	simm.s32 $0x400;
	[dreg:$0x12] =	wrdreg s5  }
0x19: {  	s7 =	sadd.s32 s4, s26;
	[dreg:$0x14] =	wrdreg s0;
	s0 =	sadd.s32 s6, s12  }
0x1a: {  	s1 =	sadd.s32 s1, s4;
	s12 =	simm.s32 $0x2800;
	s26 =	simm.s32 $0xE800  }
0x1b: {  	s5 =	sadd.s32 $0x18000, s7;
	s0 =	sadd.s32 $0x100, s0;
	[dreg:$0x15] =	wrdreg s1  }
0x1c: {  	s1 =	simm.s32 $0x1800;
	[dreg:$0x13] =	wrdreg s5;
	s5 =	sadd.s32 $0x8, s11  }
0x1d: {  	[dreg:$0x10] =	wrdreg s26;
	s26 =	simm.s32 $0x8800;
	s5 =	sshrl.u32 s5, $0x3  }
0x1e: {  	[dreg:$0x3] =	wrdreg s0;
	s11 =	simm.s32 $0x800;
	s14 =	sshll.u32 s5, $0xC  }
0x1f: {  	s13 =	sshll.u32 s5, $0x7;
	s5 =	simm.s32 $0x100;
	s0 =	sadd.s32 s14, s4  }
0x20: {  	s6 =	sadd.s32 s13, s6;
	s13 =	simm.s32 $0x180;
	[dreg:$0x16] =	wrdreg s0  }
0x21: {  	s14 =	simm.s32 $0x3800;
	s4 =	simm.s32 $0x0;
	[dreg:$0x4] =	wrdreg s6  }
.LBB2_1:
0x22: {  	[dreg:$0x17] =	wrdreg s4  }
0x23: {  	s0 =	rddreg [dreg:$0x12]  }
0x24: {  	[tilespmem:s2], [sflag:$0x3] =	stream.linear.gather [hbm4b:s0+s2], $0x400, $0x38;
	[tilespmem:$0x10800] =	vst v63  }
0x25: {  	_ =	swait.ge [sflag:s9], $0x400  }
0x26: {  	[sflag:s9] =	ssyncset.done $0x0  }
0x27: {  	[sflag:s9] =	ssyncadd.s32 $0xFFFFFC00  }
0x28: {  	[tilespmem:s11], [sflag:$0x1] =	stream.indirect.gather [hbm4b:s3+s10], $0x20, s2, s10, $0xb8;
	[tilespmem:$0x10800] =	vst v63  }
0x29: {  	_ = 	snop  }
0x2a: {  	[tilespmem:s1], [sflag:$0x1] =	stream.indirect.gather [hbm4b:s3+s10], $0x20, s10, s10, $0xb8;
	[tilespmem:$0x10800] =	vst v63  }
0x2b: {  	_ = 	snop  }
0x2c: {  	[tilespmem:s12], [sflag:$0x1] =	stream.indirect.gather [hbm4b:s3+s10], $0x20, s5, s10, $0xb8;
	[tilespmem:$0x10800] =	vst v63  }
0x2d: {  	_ = 	snop  }
0x2e: {  	[tilespmem:s14], [sflag:$0x1] =	stream.indirect.gather [hbm4b:s3+s10], $0x20, s13, s10, $0xb8;
	[tilespmem:$0x10800] =	vst v63  }
0x2f: {  	_ = 	snop  }
0x30: {  	[tilespmem:s18], [sflag:$0x1] =	stream.indirect.gather [hbm4b:s3+s10], $0x20, s17, s10, $0xb8;
	[tilespmem:$0x10800] =	vst v63  }
0x31: {  	_ = 	snop  }
0x32: {  	[tilespmem:s20], [sflag:$0x1] =	stream.indirect.gather [hbm4b:s3+s10], $0x20, s19, s10, $0xb8;
	[tilespmem:$0x10800] =	vst v63  }
0x33: {  	_ = 	snop  }
0x34: {  	[tilespmem:s22], [sflag:$0x1] =	stream.indirect.gather [hbm4b:s3+s10], $0x20, s21, s10, $0xb8;
	[tilespmem:$0x10800] =	vst v63  }
0x35: {  	s7 =	rddreg [dreg:$0x4]  }
0x36: {  	[tilespmem:s24], [sflag:$0x1] =	stream.indirect.gather [hbm4b:s3+s10], $0x20, s23, s10, $0xb8;
	[tilespmem:$0x10800] =	vst v63  }
0x37: {  	s0 =	sadd.s32 $0x0, s7  }
0x38: {  	[tilespmem:s25], [sflag:$0x3] =	stream.linear.gather [hbm4b:s0+s2], $0x400, $0x38;
	[tilespmem:$0x10800] =	vst v63  }
0x39: {  	_ =	swait.ge [sflag:s9], $0x400  }
0x3a: {  	s8 =	rddreg [dreg:$0x7]  }
0x3b: {  	s15 =	rddreg [dreg:$0x5]  }
0x3c: {  	s6 =	rddreg [dreg:$0x6]  }
0x3d: {  	[sflag:s9] =	ssyncset.done $0x0;
	s7 =	rddreg [dreg:$0x8]  }
0x3e: {  	s16 =	rddreg [dreg:$0x9];
	[sflag:s9] =	ssyncadd.s32 $0xFFFFFC00  }
0x3f: {  	[tilespmem:s26], [sflag:$0x2] =	stream.indirect.gather [hbm4b:s3+s10], $0x20, s25, s10, $0xb8;
	[tilespmem:$0x10800] =	vst v63  }
0x40: {  	s31 =	rddreg [dreg:$0xa]  }
0x41: {  	[tilespmem:s6], [sflag:$0x2] =	stream.indirect.gather [hbm4b:s3+s10], $0x20, s15, s10, $0xb8;
	[tilespmem:$0x10800] =	vst v63  }
0x42: {  	s15 =	rddreg [dreg:$0xb]  }
0x43: {  	[tilespmem:s7], [sflag:$0x2] =	stream.indirect.gather [hbm4b:s3+s10], $0x20, s8, s10, $0xb8;
	[tilespmem:$0x10800] =	vst v63  }
0x44: {  	s8 =	rddreg [dreg:$0xc]  }
0x45: {  	[tilespmem:s31], [sflag:$0x2] =	stream.indirect.gather [hbm4b:s3+s10], $0x20, s16, s10, $0xb8;
	[tilespmem:$0x10800] =	vst v63  }
0x46: {  	s16 =	rddreg [dreg:$0xe]  }
0x47: {  	s31 =	rddreg [dreg:$0xd]  }
0x48: {  	[tilespmem:s8], [sflag:$0x2] =	stream.indirect.gather [hbm4b:s3+s10], $0x20, s15, s10, $0xb8;
	[tilespmem:$0x10800] =	vst v63  }
0x49: {  	s8 =	rddreg [dreg:$0x10]  }
0x4a: {  	[tilespmem:s16], [sflag:$0x2] =	stream.indirect.gather [hbm4b:s3+s10], $0x20, s31, s10, $0xb8;
	[tilespmem:$0x10800] =	vst v63  }
0x4b: {  	s15 =	rddreg [dreg:$0xf]  }
0x4c: {  	[tilespmem:s8], [sflag:$0x2] =	stream.indirect.gather [hbm4b:s3+s10], $0x20, s15, s10, $0xb8;
	[tilespmem:$0x10800] =	vst v63  }
0x4d: {  	s16 =	rddreg [dreg:$0x11]  }
0x4e: {  	[tilespmem:s28], [sflag:$0x2] =	stream.indirect.gather [hbm4b:s3+s10], $0x20, s16, s10, $0xb8;
	[tilespmem:$0x10800] =	vst v63  }
0x4f: {  	_ =	swait.ge [sflag:s29], $0x8000  }
0x50: {  	[sflag:s29] =	ssyncset.done $0x0  }
0x51: {  	s7 =	rddreg [dreg:$0x15];
	[sflag:s29] =	ssyncadd.s32 $0xFFFF8000  }
0x52: {  	[hbm4b:s7+s2] =	stream.linear.scatter [tilespmem:s11], [sflag:$0x3], $0x8000, $0x38;
	[tilespmem:$0x10800] =	vst v63  }
0x53: {  	_ =	swait.ge [sflag:s9], $0x8000  }
0x54: {  	s31 =	rddreg [dreg:$0x3];
	[sflag:s9] =	ssyncset.done $0x0  }
0x55: {  	[sflag:s9] =	ssyncadd.s32 $0xFFFF8000;
	s0 =	sadd.s32 $0x0, s31  }
0x56: {  	[tilespmem:s2], [sflag:$0x3] =	stream.linear.gather [hbm4b:s0+s2], $0x400, $0x38;
	[tilespmem:$0x10800] =	vst v63  }
0x57: {  	_ =	swait.ge [sflag:s9], $0x400  }
0x58: {  	[sflag:s9] =	ssyncset.done $0x0  }
0x59: {  	[sflag:s9] =	ssyncadd.s32 $0xFFFFFC00  }
0x5a: {  	[tilespmem:s11], [sflag:$0x1] =	stream.indirect.gather [hbm4b:s3+s10], $0x20, s2, s10, $0xb8;
	[tilespmem:$0x10800] =	vst v63  }
0x5b: {  	_ = 	snop  }
0x5c: {  	[tilespmem:s1], [sflag:$0x1] =	stream.indirect.gather [hbm4b:s3+s10], $0x20, s10, s10, $0xb8;
	[tilespmem:$0x10800] =	vst v63  }
0x5d: {  	_ = 	snop  }
0x5e: {  	[tilespmem:s12], [sflag:$0x1] =	stream.indirect.gather [hbm4b:s3+s10], $0x20, s5, s10, $0xb8;
	[tilespmem:$0x10800] =	vst v63  }
0x5f: {  	_ = 	snop  }
0x60: {  	[tilespmem:s14], [sflag:$0x1] =	stream.indirect.gather [hbm4b:s3+s10], $0x20, s13, s10, $0xb8;
	[tilespmem:$0x10800] =	vst v63  }
0x61: {  	_ = 	snop  }
0x62: {  	[tilespmem:s18], [sflag:$0x1] =	stream.indirect.gather [hbm4b:s3+s10], $0x20, s17, s10, $0xb8;
	[tilespmem:$0x10800] =	vst v63  }
0x63: {  	_ = 	snop  }
0x64: {  	[tilespmem:s20], [sflag:$0x1] =	stream.indirect.gather [hbm4b:s3+s10], $0x20, s19, s10, $0xb8;
	[tilespmem:$0x10800] =	vst v63  }
0x65: {  	_ = 	snop  }
0x66: {  	[tilespmem:s22], [sflag:$0x1] =	stream.indirect.gather [hbm4b:s3+s10], $0x20, s21, s10, $0xb8;
	[tilespmem:$0x10800] =	vst v63  }
0x67: {  	_ = 	snop  }
0x68: {  	[tilespmem:s24], [sflag:$0x1] =	stream.indirect.gather [hbm4b:s3+s10], $0x20, s23, s10, $0xb8;
	[tilespmem:$0x10800] =	vst v63  }
0x69: {  	_ =	swait.ge [sflag:s30], $0x8000  }
0x6a: {  	s4 =	rddreg [dreg:$0x16]  }
0x6b: {  	s0 =	simm.s32 $0x100;
	s8 =	smov.u32 s4  }
.LBB2_2:
0x6c: {  	[sflag:s30] =	ssyncset.done $0x0  }
0x6d: {  	[sflag:s30] =	ssyncadd.s32 $0xFFFF8000  }
0x6e: {  	[hbm4b:s4+s2] =	stream.linear.scatter [tilespmem:s26], [sflag:$0x3], $0x8000, $0x38;
	[tilespmem:$0x10800] =	vst v63  }
0x6f: {  	_ =	swait.ge [sflag:s9], $0x8000  }
0x70: {  	s6 =	smov.u32 s0;
	s1 =	rddreg [dreg:$0x4];
	[sflag:s9] =	ssyncset.done $0x0  }
0x71: {  	[sflag:s9] =	ssyncadd.s32 $0xFFFF8000;
	s1 =	sadd.s32 s6, s1  }
0x72: {  	[tilespmem:s25], [sflag:$0x3] =	stream.linear.gather [hbm4b:s1+s2], $0x400, $0x38;
	[tilespmem:$0x10800] =	vst v63  }
0x73: {  	_ =	swait.ge [sflag:s9], $0x400  }
0x74: {  	s1 =	rddreg [dreg:$0x10]  }
0x75: {  	s5 =	rddreg [dreg:$0xe]  }
0x76: {  	s31 =	rddreg [dreg:$0xc]  }
0x77: {  	s12 =	rddreg [dreg:$0x9]  }
0x78: {  	[sflag:s9] =	ssyncset.done $0x0;
	s13 =	rddreg [dreg:$0x7]  }
0x79: {  	s14 =	rddreg [dreg:$0x5];
	[sflag:s9] =	ssyncadd.s32 $0xFFFFFC00  }
0x7a: {  	[tilespmem:s26], [sflag:$0x2] =	stream.indirect.gather [hbm4b:s3+s10], $0x20, s25, s10, $0xb8;
	[tilespmem:$0x10800] =	vst v63  }
0x7b: {  	s15 =	rddreg [dreg:$0x6]  }
0x7c: {  	[tilespmem:s15], [sflag:$0x2] =	stream.indirect.gather [hbm4b:s3+s10], $0x20, s14, s10, $0xb8;
	[tilespmem:$0x10800] =	vst v63  }
0x7d: {  	s16 =	rddreg [dreg:$0x8]  }
0x7e: {  	[tilespmem:s16], [sflag:$0x2] =	stream.indirect.gather [hbm4b:s3+s10], $0x20, s13, s10, $0xb8;
	[tilespmem:$0x10800] =	vst v63  }
0x7f: {  	s14 =	rddreg [dreg:$0xa]  }
0x80: {  	[tilespmem:s14], [sflag:$0x2] =	stream.indirect.gather [hbm4b:s3+s10], $0x20, s12, s10, $0xb8;
	[tilespmem:$0x10800] =	vst v63  }
0x81: {  	s15 =	rddreg [dreg:$0xb]  }
0x82: {  	[tilespmem:s31], [sflag:$0x2] =	stream.indirect.gather [hbm4b:s3+s10], $0x20, s15, s10, $0xb8;
	[tilespmem:$0x10800] =	vst v63  }
0x83: {  	s16 =	rddreg [dreg:$0xd]  }
0x84: {  	[tilespmem:s5], [sflag:$0x2] =	stream.indirect.gather [hbm4b:s3+s10], $0x20, s16, s10, $0xb8;
	[tilespmem:$0x10800] =	vst v63  }
0x85: {  	s15 =	rddreg [dreg:$0xf]  }
0x86: {  	[tilespmem:s1], [sflag:$0x2] =	stream.indirect.gather [hbm4b:s3+s10], $0x20, s15, s10, $0xb8;
	[tilespmem:$0x10800] =	vst v63  }
0x87: {  	s16 =	rddreg [dreg:$0x11]  }
0x88: {  	[tilespmem:s28], [sflag:$0x2] =	stream.indirect.gather [hbm4b:s3+s10], $0x20, s16, s10, $0xb8;
	[tilespmem:$0x10800] =	vst v63  }
0x89: {  	_ =	swait.ge [sflag:s29], $0x8000  }
0x8a: {  	[sflag:s29] =	ssyncset.done $0x0  }
0x8b: {  	s7 =	sadd.s32 $0x2000, s7;
	[sflag:s29] =	ssyncadd.s32 $0xFFFF8000  }
0x8c: {  	[hbm4b:s7+s2] =	stream.linear.scatter [tilespmem:s11], [sflag:$0x3], $0x8000, $0x38;
	[tilespmem:$0x10800] =	vst v63  }
0x8d: {  	_ =	swait.ge [sflag:s9], $0x8000  }
0x8e: {  	s31 =	rddreg [dreg:$0x3];
	[sflag:s9] =	ssyncset.done $0x0  }
0x8f: {  	[sflag:s9] =	ssyncadd.s32 $0xFFFF8000;
	s1 =	sadd.s32 s6, s31  }
0x90: {  	[tilespmem:s2], [sflag:$0x3] =	stream.linear.gather [hbm4b:s1+s2], $0x400, $0x38;
	[tilespmem:$0x10800] =	vst v63  }
0x91: {  	_ =	swait.ge [sflag:s9], $0x400  }
0x92: {  	[sflag:s9] =	ssyncset.done $0x0  }
0x93: {  	[sflag:s9] =	ssyncadd.s32 $0xFFFFFC00  }
0x94: {  	[tilespmem:s11], [sflag:$0x1] =	stream.indirect.gather [hbm4b:s3+s10], $0x20, s2, s10, $0xb8;
	[tilespmem:$0x10800] =	vst v63  }
0x95: {  	s1 =	simm.s32 $0x1800  }
0x96: {  	[tilespmem:s1], [sflag:$0x1] =	stream.indirect.gather [hbm4b:s3+s10], $0x20, s10, s10, $0xb8;
	[tilespmem:$0x10800] =	vst v63  }
0x97: {  	s12 =	simm.s32 $0x2800;
	s5 =	simm.s32 $0x100  }
0x98: {  	[tilespmem:s12], [sflag:$0x1] =	stream.indirect.gather [hbm4b:s3+s10], $0x20, s5, s10, $0xb8;
	[tilespmem:$0x10800] =	vst v63  }
0x99: {  	s13 =	simm.s32 $0x180;
	s14 =	simm.s32 $0x3800  }
0x9a: {  	[tilespmem:s14], [sflag:$0x1] =	stream.indirect.gather [hbm4b:s3+s10], $0x20, s13, s10, $0xb8;
	[tilespmem:$0x10800] =	vst v63  }
0x9b: {  	_ = 	snop  }
0x9c: {  	[tilespmem:s18], [sflag:$0x1] =	stream.indirect.gather [hbm4b:s3+s10], $0x20, s17, s10, $0xb8;
	[tilespmem:$0x10800] =	vst v63  }
0x9d: {  	p0 =	sne.s32 s0, $0xB00  }
0x9e: {  	[tilespmem:s20], [sflag:$0x1] =	stream.indirect.gather [hbm4b:s3+s10], $0x20, s19, s10, $0xb8;
	[tilespmem:$0x10800] =	vst v63  }
.Ltmp0:
0x9f: {  	_ = 	snop;
	(pc) =	sbr.rel @p0 .LBB2_2-.Ltmp0, $4  }
0xa0: {  	[tilespmem:s22], [sflag:$0x1] =	stream.indirect.gather [hbm4b:s3+s10], $0x20, s21, s10, $0xb8;
	[tilespmem:$0x10800] =	vst v63  }
0xa1: {  	s8 =	sadd.s32 $0x2000, s8  }
0xa2: {  	[tilespmem:s24], [sflag:$0x1] =	stream.indirect.gather [hbm4b:s3+s10], $0x20, s23, s10, $0xb8;
	[tilespmem:$0x10800] =	vst v63  }
0xa3: {  	s0 =	sadd.s32 $0x100, s0;
	s4 =	smov.u32 s8;
	_ =	swait.ge [sflag:s30], $0x8000  }
0xa4: {  	[sflag:s30] =	ssyncset.done $0x0  }
0xa5: {  	[sflag:s30] =	ssyncadd.s32 $0xFFFF8000  }
0xa6: {  	[hbm4b:s4+s2] =	stream.linear.scatter [tilespmem:s26], [sflag:$0x3], $0x8000, $0x38;
	[tilespmem:$0x10800] =	vst v63  }
0xa7: {  	_ =	swait.ge [sflag:s9], $0x8000  }
0xa8: {  	[sflag:s9] =	ssyncset.done $0x0  }
0xa9: {  	[sflag:s9] =	ssyncadd.s32 $0xFFFF8000  }
0xaa: {  	_ =	swait.ge [sflag:s29], $0x8000  }
0xab: {  	[sflag:s29] =	ssyncset.done $0x0  }
0xac: {  	s0 =	rddreg [dreg:$0x13];
	[sflag:s29] =	ssyncadd.s32 $0xFFFF8000  }
0xad: {  	[hbm4b:s0+s2] =	stream.linear.scatter [tilespmem:s11], [sflag:$0x3], $0x8000, $0x38;
	[tilespmem:$0x10800] =	vst v63  }
0xae: {  	_ =	swait.ge [sflag:s9], $0x8000  }
0xaf: {  	s16 =	rddreg [dreg:$0x17]  }
0xb0: {  	s31 =	rddreg [dreg:$0x14];
	s4 =	sadd.s32 $0x1, s16  }
0xb1: {  	p0 =	sne.s32 s4, s31  }
.Ltmp1:
0xb2: {  	_ = 	snop;
	(pc) =	sbr.rel @p0 .LBB2_1-.Ltmp1, $3  }
0xb3: {  	_ =	sdelay $0x1  }
0xb4: {  	[sflag:s9] =	ssyncset.done $0x0  }
0xb5: {  	[sflag:s9] =	ssyncadd.s32 $0xFFFF8000  }
0xb6: {  	_ =	sfence.sel $0x180000  }
0xb7: {  	[bflag:$0x0] =	sbarrier.arrive $0xFFFF  }
0xb8: {  	_ =	strace $0x90000047  }
0xb9: {  	s0 =	stileid.u32;
	[bflag:$0x2] =	sbarrier.arrive $0xFFFF  }
0xba: {  	p0 =	sne.s32 s0, $0x0;
	s0 =	rddreg [dreg:$0x2]  }
0xbb: {  	s0 =	sadd.s32 @!p0 $0x100000, s0  }
0xbc: {  	[sflag:s0] =	ssyncadd.tile.s32 @!p0 $0x1;
	_ =	shalt  }
.Lfunc_end2:
_tile_overlayer_lowered:
.L_overlay_start_2:
0xbd: {  	(tag) =	ssettag $0x2  }
0xbe: {  	s0 =	rddreg [dreg:$0x0];
	s2 =	stileid.u32  }
0xbf: {  	s1 =	rddreg [dreg:$0x1];
	p0 =	sne.s32 s2, $0x0  }
0xc0: {  	s3 =	rddreg [dreg:$0x2];
	[bflag:$0x3] =	sbarrier.arrive $0xFFFF;
	s2 =	simm.s32 @!p0 $0x1C03  }
0xc1: {  	[timem:s3], [sflag:s2] =	dma.local @!p0 [hbm:s0], s1  }
0xc2: {  	s0 =	simm.s32 @!p0 $0x3  }
0xc3: {  	_ =	swait.ge @!p0 [sflag:s0], s1  }
0xc4: {  	s1 =	ssub.s32 @!p0 $0x0, s1;
	[sflag:s0] =	ssyncset.done @!p0 $0x0  }
0xc5: {  	[sflag:s0] =	ssyncadd.s32 @!p0 s1  }
0xc6: {  	[bflag:$0x3] =	sbarrier.arrive $0xFFFF  }
0xc7: {  	_ =	shalt  }

// kernel: sparse-core-data-format-call.cloned.1.call-start
scs
called_computation_lowered:
.L_overlay_start_0:
0x0: {  	s2 =	sld [smem:$0x3FD9]  }
0x1: {  	s3 =	sld [smem:$0x3FFE];
	_ =	sdelay $0x1  }
0x2: {  	s1 =	srdreg.scid  }
0x3: {  	s0 =	sand.u32 $0x1, s1  }
0x4: {  	s18 =	sshll.u32 s0, $0xA;
	s2 =	sadd.s32 s3, s2  }
0x5: {  	s2 =	sadd.s32 s2, s18  }
0x6: {  	[smem:$0x3FC6] =	sst s2  }
0x7: {  	_ = 	snop  }
0x8: {  	s2 =	sld [smem:$0x3FD0];
	(tm) =	ssettm $0x1  }
0x9: {  	s19 =	sld [smem:$0x3FFB];
	_ =	sdelay $0x3  }
0xa: {  	_ =	strace s19  }
0xb: {  	s3 =	sld [smem:$0x3FFC];
	_ =	sdelay $0x3  }
0xc: {  	_ =	strace s3  }
0xd: {  	s3 =	sld [smem:$0x3FFD];
	_ =	sdelay $0x3  }
0xe: {  	_ =	strace s3  }
0xf: {  	_ =	strace $0x8FFFFFFF  }
0x10: {  	s20 =	sld [smem:$0x3FDB];
	_ =	sdelay $0x1  }
0x11: {  	s4 =	simm.s32 $_scs_section_size  }
0x12: {  	s5 =	simm.s32 $_size__tile_overlayer_lowered;
	s6 =	simm.s32 $_tile_overlayer_lowered  }
0x13: {  	s23 =	simm.s32 $0x1BFF;
	s22 =	sshll.u32 s6, $0x1;
	s3 =	sadd.s32 s4, s20  }
0x14: {  	s7 =	simm.s32 $0x0;
	s21 =	sshll.u32 s5, $0x1;
	s5 =	sadd.s32 s22, s3  }
0x15: {  	[timem:s7], [sflag:s23] =	dma.local [hbm:s5], s21  }
0x16: {  	_ =	swait.ge [sflag:s23], s21  }
0x17: {  	s4 =	ssub.s32 $0x0, s21;
	[sflag:s23] =	ssyncset.done $0x0  }
0x18: {  	[sflag:s23] =	ssyncadd.s32 s4;
	_ =	sdelay $0x1  }
0x19: {  	s24 =	simm.s32 $0x1B8B  }
0x1a: {  	_ =	swait.ge [sflag:s24], $0x1  }
0x1b: {  	[sflag:s24] =	ssyncset.done $0x0  }
0x1c: {  	s26 =	simm.s32 $0x1B8E;
	s25 =	sld [smem:$0x3FFE];
	[sflag:s24] =	ssyncadd.s32 $0xFFFFFFFF  }
0x1d: {  	s27 =	simm.s32 $execute0_lowered;
	[smem:$0x3FD2] =	sst s26  }
0x1e: {  	s5 =	sshll.u32 s27, $0x1;
	_ =	strace $0x80000049;
	[dreg:$0x1] =	wrdreg $0xFFFFFFFF  }
0x1f: {  	s28 =	simm.s32 $_size_execute0_lowered;
	s3 =	sadd.s32 s3, s5;
	[dreg:$0x0] =	wrdreg $0x0  }
0x20: {  	s5 =	sshll.u32 s28, $0x1;
	[dreg:$0x2] =	wrdreg s3  }
0x21: {  	[dreg:$0x3] =	wrdreg s5  }
0x22: {  	[dreg:$0x4] =	wrdreg $0xC0  }
0x23: {  	_ =	task [dreg:s7], $0x5FFFF  }
0x24: {  	[dreg:$0x1] =	wrdreg $0xFFFFFFFF  }
0x25: {  	[dreg:$0x0] =	wrdreg $0x60  }
0x26: {  	[dreg:$0x2] =	wrdreg s25  }
0x27: {  	[dreg:$0x3] =	wrdreg s2  }
0x28: {  	[dreg:$0x4] =	wrdreg $0x9  }
0x29: {  	_ =	task.clear_ibuf [dreg:s7], $0x5FFFF;
	_ =	strace $0x90000049  }
0x2a: {  	s29 =	simm.s32 $0x9;
	_ =	strace $0x8000004B  }
0x2b: {  	_ =	swait.ge [sflag:s29], $0x1  }
0x2c: {  	[sflag:s29] =	ssyncadd.s32 $0xFFFFFFFF  }
0x2d: {  	_ =	strace $0x9000004B  }
0x2e: {  	_ =	sfence  }
0x2f: {  	s30 =	sld [smem:$0x0];
	_ =	sdelay $0x2  }
0x30: {  	s31 =	sshll.u32 s1, $0xD;
	s1 =	sshrl.u32 s1, $0x2  }
0x31: {  	s3 =	sand.u32 $0x4000, s31;
	s1 =	sadd.s32 s1, s30  }
0x32: {  	s0 =	sor.u32 s3, s0;
	s1 =	sshll.u32 s1, $0x11  }
0x33: {  	s0 =	sor.u32 s1, s0  }
0x34: {  	s0 =	sadd.s32 $0x8F2B, s0  }
0x35: {  	[sflag:s0] =	ssyncadd.remote.s32 $0x1  }
0x36: {  	_ =	sfence.sel $0xFFFF  }
0x37: {  	[dreg:$0x0] =	wrdreg $0xFFFFFFFF;
	(pc) =	sbr.abs _section_cstart, $3  }
0x38: {  	[dreg:$0x1] =	wrdreg $0xFFFFFFFF  }
0x39: {  	_ =	task.clear_ibuf [dreg:s7], $0x2FFFF;
	_ =	strace $0x9FFFFFFF  }
0x3a: {  	(tm) =	ssettm $0x7FFFFFFF  }
0x3b: {  	_ =	shalt  }
tec
execute0_lowered:
.L_overlay_start_1:
0x0: {  	(tag) =	ssettag $0x1  }
0x1: {  	s0 =	srdreg.scid  }
0x2: {  	s1 =	sshll.u32 s0, $0x4  }
0x3: {  	s0 =	stileid.u32;
	s1 =	sand.u32 $0x10, s1  }
0x4: {  	s1 =	sor.u32 s0, s1  }
0x5: {  	s6 =	rddreg [dreg:$0x0];
	s4 =	simm.s32 $0x1;
	s2 =	sshll.u32 s1, $0x7  }
0x6: {  	s7 =	simm.s32 $0x2;
	s12 =	simm.s32 $0x0;
	s1 =	ssub.s32 $0x1000, s2  }
0x7: {  	s8 =	simm.s32 $0x8000;
	s13 =	simm.s32 $0x0;
	s3 =	sand.u32 $0xF80, s1  }
0x8: {  	s9 =	simm.s32 $0x0;
	s5 =	sshrl.u32 s1, $0xC;
	p0 =	sne.s32 s3, $0x0  }
.Ltmp0:
0x9: {  	s1 =	rddreg [dreg:$0x2];
	s4 =	simm.s32 @!p0 $0x0;
	(pc) =	sbr.rel .LBB1_1-.Ltmp0, $4  }
0xa: {  	s11 =	simm.s32 $0x0;
	s3 =	rddreg [dreg:$0x1];
	s5 =	sadd.s32 s4, s5  }
0xb: {  	_ =	strace $0x8000004A;
	s4 =	simm.s32 $0x1;
	s5 =	smul.u32 $0xC8, s5  }
0xc: {  	s6 =	sadd.s32 $0xA00, s6;
	s10 =	smov.u32 s2;
	[sflag:s4] =	ssyncpa.u1 $0x0  }
0xd: {  	p0 =	por $0x0, $0x0;
	[sflag:s7] =	ssyncpa.u1 $0x0;
	s7 =	sor.u32 $0x1, s5  }
.LBB1_4:
0xe: {  	s16 =	sshll.u32 s13, $0x3;
	s17 =	sand.u32 $0x78, s13  }
0xf: {  	s30 =	sand.u32 $0x3E00, s13;
	s12 =	sshll.u32 s12, $0xE;
	s16 =	sand.u32 $0xC00, s16  }
0x10: {  	s31 =	sand.u32 $0x7, s13;
	s16 =	sor.u32 s17, s16;
	s17 =	sadd.s32 s3, s30  }
0x11: {  	s13 =	sshll.u32 s31, $0x12;
	s16 =	sshrl.u32 s16, $0x3;
	s12 =	sadd.s32 s12, s17  }
0x12: {  	[tilespmem:s15+$0x0 ss:$0x81] =	vst.msk $0xffff, v0;
	s13 =	sor.u32 $0x400, s13;
	s12 =	sadd.s32 s16, s12  }
0x13: {  	[hbm4b:s12+s13] =	stream.strided.scatter [tilespmem:s14], [sflag:$0x2], $0x1000, s8, s13, $0x20;
	[tilespmem:$0x4040] =	vst v63  }
.LBB1_5:
0x14: {  	s14 =	sadd.s32 $0x1, s9  }
0x15: {  	s12 =	sadd.s32 $0x1000, s10;
	s16 =	smov.u32 s10;
	p2 =	sgt.s32 s14, $0xC7  }
0x16: {  	s16 =	smov.u32 @p2 s12  }
0x17: {  	s14 =	simm.s32 @p2 $0x0;
	p2 =	sgt.s32 s16, $0xFFF  }
0x18: {  	s16 =	smov.u32 @p2 s2;
	p2 =	sne.s32 s11, s7  }
.Ltmp1:
0x19: {  	p1 =	slt.u32 s11, $0x2;
	(pc) =	sbr.rel @!p2 .LBB1_6-.Ltmp1, $4  }
0x1a: {  	s15 =	simm.s32 @!p1 $0x2  }
0x1b: {  	s13 =	smov.u32 s10;
	p0 =	por !p0, !p0;
	_ =	swait.ge @!p1 [sflag:s15], $0x1000  }
0x1c: {  	s12 =	smov.u32 s9;
	[sflag:s15] =	ssyncset.done @!p1 $0x0;
	s9 =	smov.u32 s14  }
0x1d: {  	s11 =	sadd.s32 $0x1, s11;
	[sflag:s15] =	ssyncadd.s32 @!p1 $0xFFFFF000;
	s10 =	smov.u32 s16  }
.LBB1_1:
0x1e: {  	p1 =	sge.u32 s11, s5  }
0x1f: {  	s14 =	sand.u32 @!p1 $0x1FFFFFF, s9  }
0x20: {  	s15 =	smulhi.u32 @!p1 $0x147AE15, s14;
	_ =	sdelay $0x1  }
0x21: {  	s15 =	smul.u32 @!p1 $0xC8, s15  }
0x22: {  	s16 =	sxor.u32 @!p1 $0xFFFFFFFF, s11;
	s17 =	smul.u32 @!p1 $0xC80, s10  }
0x23: {  	s31 =	sadd.s32 $0xFFFFFFFF, s11;
	s16 =	sshll.u32 @!p1 s16, $0xC;
	s14 =	ssub.s32 @!p1 s14, s15  }
0x24: {  	s15 =	sand.u32 @!p1 $0x1000, s16;
	s16 =	sadd.s32 @!p1 s6, s17;
	s14 =	sshll.u32 @!p1 s14, $0x4  }
0x25: {  	s17 =	simm.s32 @!p1 $0x6400;
	s14 =	sadd.s32 @!p1 s14, s16;
	s16 =	simm.s32 @!p1 $0x20  }
0x26: {  	[tilespmem:s15], [sflag:$0x1] =	stream.strided.gather @!p1 [hbm4b:s14+s16], $0x1000, s17, s16, $0x38;
	[tilespmem:$0x4040] =	vst v63  }
0x27: {  	p1 =	sge.u32 s31, s5  }
.Ltmp2:
0x28: {  	_ = 	snop;
	(pc) =	sbr.rel @p1 .LBB1_5-.Ltmp2, $1  }
0x29: {  	_ =	sdelay $0x3  }
0x2a: {  	s14 =	simm.s32 $0x1  }
0x2b: {  	_ =	swait.ge [sflag:s4], $0x1000;
	s14 =	simm.s32 @!p0 $0x0  }
0x2c: {  	[sflag:s4] =	ssyncset.done $0x0;
	s15 =	sshll.u32 s14, $0xC  }
0x2d: {  	[sflag:s4] =	ssyncadd.s32 $0xFFFFF000;
	s18 =	sor.u32 $0x10, s15  }
0x2e: {  	s14 =	smul.u32 $0x4080, s14;
	v1 =	vld [tilespmem:s18+$0x0]  }
0x2f: {  	s30 =	sand.u32 $0x1, s11;
	v0 =	vld [tilespmem:s18+$0xFFFFFFF0]  }
0x30: {  	s15 =	smul.u32 $0x4080, s30;
	s14 =	sshrl.u32 s14, $0x2  }
0x31: {  	s16 =	sor.u32 $0x2000, s14  }
0x32: {  	s31 =	sshrl.u32 s15, $0x2;
	s15 =	sadd.s32 $0x0, s16  }
0x33: {  	s17 =	simm.s32 $0x4;
	s18 =	sadd.s32 $0x20, s18;
	s14 =	sor.u32 $0x2000, s31;
	[tilespmem:s15+$0x810 ss:$0x81] =	vst.msk $0xffff, v1  }
.LBB1_3:
0x34: {  	v1 =	vld [tilespmem:s18+$0x0];
	p1 =	sne.s32 s17, $0x1FC;
	[tilespmem:s15+$0x0 ss:$0x81] =	vst.msk $0xffff, v0;
	s15 =	smov.u32 s17;
	s17 =	sadd.s32 $0x4, s17  }
.Ltmp3:
0x35: {  	v0 =	vld [tilespmem:s18+$0xFFFFFFF0];
	(pc) =	sbr.rel @p1 .LBB1_3-.Ltmp3, $4  }
0x36: {  	_ = 	snop  }
0x37: {  	s15 =	sshra.s32 s15, $0x2  }
0x38: {  	s15 =	sadd.s32 s15, s16  }
0x39: {  	s18 =	sadd.s32 $0x20, s18;
	[tilespmem:s15+$0x810 ss:$0x81] =	vst.msk $0xffff, v1  }
.Ltmp4:
0x3a: {  	_ = 	snop;
	(pc) =	sbr.rel .LBB1_4-.Ltmp4, $1  }
0x3b: {  	_ =	sdelay $0x3  }
.LBB1_6:
0x3c: {  	_ =	sfence.sel $0x180000  }
0x3d: {  	s2 =	simm.s32 $0x1;
	[bflag:$0x0] =	sbarrier.arrive $0xFFFF  }
0x3e: {  	s31 =	simm.s32 $0x2;
	[sflag:s2] =	ssyncpa.u1 $0x1  }
0x3f: {  	[sflag:s31] =	ssyncpa.u1 $0x1  }
0x40: {  	p0 =	sne.s32 s0, $0x0;
	_ =	strace $0x9000004A  }
0x41: {  	s0 =	sadd.s32 @!p0 $0x100000, s1;
	[bflag:$0x2] =	sbarrier.arrive $0xFFFF  }
0x42: {  	[sflag:s0] =	ssyncadd.tile.s32 @!p0 $0x1;
	_ =	shalt  }
.Lfunc_end1:
_tile_overlayer_lowered:
.L_overlay_start_2:
0x43: {  	(tag) =	ssettag $0x2  }
0x44: {  	s0 =	rddreg [dreg:$0x0];
	s2 =	stileid.u32  }
0x45: {  	s1 =	rddreg [dreg:$0x1];
	p0 =	sne.s32 s2, $0x0  }
0x46: {  	s3 =	rddreg [dreg:$0x2];
	[bflag:$0x3] =	sbarrier.arrive $0xFFFF;
	s2 =	simm.s32 @!p0 $0x1C01  }
0x47: {  	[timem:s3], [sflag:s2] =	dma.local @!p0 [hbm:s0], s1  }
0x48: {  	s0 =	simm.s32 @!p0 $0x1  }
0x49: {  	_ =	swait.ge @!p0 [sflag:s0], s1  }
0x4a: {  	s1 =	ssub.s32 @!p0 $0x0, s1;
	[sflag:s0] =	ssyncset.done @!p0 $0x0  }
0x4b: {  	[sflag:s0] =	ssyncadd.s32 @!p0 s1  }
0x4c: {  	[bflag:$0x3] =	sbarrier.arrive $0xFFFF  }
0x4d: {  	_ =	shalt  }

</sc_bundles>
